<compile_context>
chip_gen: v7x
topology: tpu7x:2x2x1
jax: 0.10.2.dev20260603
libtpu: 0.0.44.dev20260713+nightly
codegen_flags: <defaults>
</compile_context>

<pallas_src>
import functools

import jax
import jax.numpy as jnp
from jax import lax
from jax.experimental import pallas as pl
from jax.experimental.pallas import tpu as pltpu
from jax.experimental.pallas import tpu_sc as plsc

N = 20000
NT = 16
TN = 1280
NP = NT * TN
C = TN // 16
MAX_OUT = 128
IOU_T = 0.7
IM_HI = 223.0
NEG = float("-inf")
BIG = 1e9


def _spl(x):
    return jnp.broadcast_to(x, (16,))


def _nms_body(a_hbm, d_hbm, s_hbm, out_hbm,
              ax1, ay1, az1, ax2, ay2, az2,
              dxr, dyr, dzr, dwr, dhr, dlr,
              vols, sc, recbuf, recs, outbuf, shared):
    sid = lax.axis_index("s")
    base = sid * TN
    base_f = base.astype(jnp.float32)

    for i, r in enumerate((ax1, ay1, az1, ax2, ay2, az2)):
        pltpu.sync_copy(a_hbm.at[i, pl.ds(base, TN)], r)
    for i, r in enumerate((dxr, dyr, dzr, dwr, dhr, dlr)):
        pltpu.sync_copy(d_hbm.at[i, pl.ds(base, TN)], r)
    pltpu.sync_copy(s_hbm.at[pl.ds(base, TN)], sc)

    lane_i = lax.iota(jnp.int32, 16)
    lane_f = lane_i.astype(jnp.float32)

    def decode_chunk(k, carry):
        vmax, vidx = carry
        sl = pl.ds(k * 16, 16)
        x1a = ax1[sl]; y1a = ay1[sl]; z1a = az1[sl]
        x2a = ax2[sl]; y2a = ay2[sl]; z2a = az2[sl]
        dx = dxr[sl]; dy = dyr[sl]; dz = dzr[sl]
        dw = dwr[sl]; dh = dhr[sl]; dl = dlr[sl]
        w = x2a - x1a + 1.0
        h = y2a - y1a + 1.0
        ln = z2a - z1a + 1.0
        cx = x1a + w * 0.5
        cy = y1a + h * 0.5
        cz = z1a + ln * 0.5
        pcx = dx * w + cx
        pcy = dy * h + cy
        pcz = dz * ln + cz
        pw = jnp.exp(dw) * w
        ph = jnp.exp(dh) * h
        plen = jnp.exp(dl) * ln
        x1 = jnp.clip(pcx - pw * 0.5, 0.0, IM_HI)
        y1 = jnp.clip(pcy - ph * 0.5, 0.0, IM_HI)
        z1 = jnp.clip(pcz - plen * 0.5, 0.0, IM_HI)
        x2 = jnp.clip(pcx + pw * 0.5, 0.0, IM_HI)
        y2 = jnp.clip(pcy + ph * 0.5, 0.0, IM_HI)
        z2 = jnp.clip(pcz + plen * 0.5, 0.0, IM_HI)
        ax1[sl] = x1; ay1[sl] = y1; az1[sl] = z1
        ax2[sl] = x2; ay2[sl] = y2; az2[sl] = z2
        vols[sl] = (x2 - x1 + 1.0) * (y2 - y1 + 1.0) * (z2 - z1 + 1.0)
        ss = sc[sl]
        idxv = _spl(base_f + (k * 16).astype(jnp.float32)) + lane_f
        pred = ss > vmax
        return jnp.where(pred, ss, vmax), jnp.where(pred, idxv, vidx)

    init = (_spl(jnp.float32(NEG)), _spl(jnp.float32(BIG)))
    vmax, vidx = lax.fori_loop(0, C, decode_chunk, init)

    def step(t, carry):
        vmax, vidx = carry
        m = jnp.max(vmax)
        li = jnp.min(jnp.where(vmax == m, vidx, BIG))
        lvalid = m > jnp.float32(-1e30)
        loc = jnp.where(lvalid, li - base_f, 0.0).astype(jnp.int32)
        loci = _spl(loc)
        rec = jnp.zeros((16,), jnp.float32)
        for ci, r in enumerate((ax1, ay1, az1, ax2, ay2, az2)):
            rec = jnp.where(lane_i == ci, plsc.load_gather(r, [loci]), rec)
        rec = jnp.where(lane_i == 6, _spl(m), rec)
        rec = jnp.where(lane_i == 7, _spl(li), rec)
        recbuf[...] = rec
        par = (t % 2) * 128
        pltpu.sync_copy(recbuf.at[pl.ds(0, 8)],
                        shared.at[pl.ds(par + sid * 8, 8)])
        plsc.subcore_barrier()
        pltpu.sync_copy(shared.at[pl.ds(par, 128)], recs)
        s_r = plsc.load_gather(recs, [lane_i * 8 + 6])
        i_r = plsc.load_gather(recs, [lane_i * 8 + 7])
        gm = jnp.max(s_r)
        gmask = s_r == gm
        gi = jnp.min(jnp.where(gmask, i_r, BIG))
        valid = gm > jnp.float32(-1e30)
        rbase = _spl(plsc.all_reduce_ffs(gmask & (i_r == gi))) * 8
        rec16 = plsc.load_gather(recs, [rbase + jnp.minimum(lane_i, 7)])
        validv = _spl(valid)
        row = jnp.where((lane_i < 7) & validv, rec16, 0.0)
        outbuf[pl.ds(t * 16, 16)] = row
        cx1 = plsc.load_gather(recs, [rbase + 0])
        cx1 = jnp.where(validv, cx1, jnp.float32(jnp.inf))
        cy1 = plsc.load_gather(recs, [rbase + 1])
        cz1 = plsc.load_gather(recs, [rbase + 2])
        cx2 = plsc.load_gather(recs, [rbase + 3])
        cy2 = plsc.load_gather(recs, [rbase + 4])
        cz2 = plsc.load_gather(recs, [rbase + 5])
        vol0 = (cx2 - cx1 + 1.0) * (cy2 - cy1 + 1.0) * (cz2 - cz1 + 1.0)

        def supp_chunk(k4, c2):
            nvmax, nvidx = c2
            for u in range(4):
                k = k4 * 4 + u
                sl = pl.ds(k * 16, 16)
                x1 = ax1[sl]; y1 = ay1[sl]; z1 = az1[sl]
                x2 = ax2[sl]; y2 = ay2[sl]; z2 = az2[sl]
                vv = vols[sl]; ss = sc[sl]
                xx1 = jnp.maximum(cx1, x1)
                yy1 = jnp.maximum(cy1, y1)
                zz1 = jnp.maximum(cz1, z1)
                xx2 = jnp.minimum(cx2, x2)
                yy2 = jnp.minimum(cy2, y2)
                zz2 = jnp.minimum(cz2, z2)
                iw = jnp.maximum(xx2 - xx1 + 1.0, 0.0)
                ih = jnp.maximum(yy2 - yy1 + 1.0, 0.0)
                il = jnp.maximum(zz2 - zz1 + 1.0, 0.0)
                inter = iw * ih * il
                iou = inter / (vol0 + vv - inter)
                ns = jnp.where(iou >= IOU_T, NEG, ss)
                sc[sl] = ns
                idxv = _spl(base_f + (k * 16).astype(jnp.float32)) + lane_f
                pred = ns > nvmax
                nvmax = jnp.where(pred, ns, nvmax)
                nvidx = jnp.where(pred, idxv, nvidx)
            return nvmax, nvidx

        return lax.fori_loop(0, C // 4, supp_chunk, init)

    lax.fori_loop(0, MAX_OUT, step, (vmax, vidx))

    @pl.when(sid == 0)
    def _():
        pltpu.sync_copy(outbuf, out_hbm)


_scratch = (
    [pltpu.VMEM((TN,), jnp.float32) for _ in range(12)]
    + [pltpu.VMEM((TN,), jnp.float32),
       pltpu.VMEM((TN,), jnp.float32),
       pltpu.VMEM((16,), jnp.float32),
       pltpu.VMEM((128,), jnp.float32),
       pltpu.VMEM((MAX_OUT * 16,), jnp.float32),
       pltpu.VMEM_SHARED((256,), jnp.float32)]
)

_nms_call = pl.kernel(
    _nms_body,
    out_type=jax.ShapeDtypeStruct((MAX_OUT * 16,), jnp.float32),
    mesh=plsc.VectorSubcoreMesh(core_axis_name="c", subcore_axis_name="s",
                                num_cores=1, num_subcores=NT),
    scratch_types=_scratch,
    compiler_params=pltpu.CompilerParams(needs_layout_passes=False),
)


def kernel(anchors, rpn_bbox_pred, scores):
    pad = NP - N
    a_t = jnp.pad(jnp.transpose(anchors.astype(jnp.float32)), ((0, 0), (0, pad)))
    d_t = jnp.pad(jnp.transpose(rpn_bbox_pred.astype(jnp.float32)), ((0, 0), (0, pad)))
    s_p = jnp.pad(scores.astype(jnp.float32), (0, pad), constant_values=NEG)
    out = _nms_call(a_t, d_t, s_p)
    return out.reshape(MAX_OUT, 16)[:, :7]

# --- scband reference (transcript-rebuilt; emitter-appended) ---
"""Pipeline reference for scband-fpn-24395414241367 (READ-ONLY COPY).

The authoritative reference and input builder live on the scoring server;
editing this copy changes nothing except your own understanding.
"""

import jax, jax.numpy as jnp
import numpy as np

N = 20000
MAX_OUT = 128
IOU_THRESH = 0.7
IM = 224.0


def setup_inputs(seed: int = 0) -> dict:
    key = jax.random.key(seed)
    k1, k2, k3, k4 = jax.random.split(key, 4)
    corners = jax.random.uniform(k1, (N, 3), dtype=jnp.float32) * (IM - 32.0)
    sizes = jax.random.uniform(k2, (N, 3), dtype=jnp.float32) * 28.0 + 4.0
    anchors = jnp.concatenate([corners, corners + sizes], axis=1)
    rpn_bbox_pred = jax.random.normal(k3, (N, 6), dtype=jnp.float32) * 0.1
    scores = jax.random.uniform(k4, (N,), dtype=jnp.float32)
    return {"anchors": anchors, "rpn_bbox_pred": rpn_bbox_pred, "scores": scores}


def _bbox_transform_inv(boxes, deltas):
    widths = boxes[:, 3] - boxes[:, 0] + 1.0
    heights = boxes[:, 4] - boxes[:, 1] + 1.0
    lengths = boxes[:, 5] - boxes[:, 2] + 1.0
    ctr_x = boxes[:, 0] + widths * 0.5
    ctr_y = boxes[:, 1] + heights * 0.5
    ctr_z = boxes[:, 2] + lengths * 0.5
    dx, dy, dz = deltas[:, 0], deltas[:, 1], deltas[:, 2]
    dw, dh, dl = deltas[:, 3], deltas[:, 4], deltas[:, 5]
    pred_ctr_x = dx * widths + ctr_x
    pred_ctr_y = dy * heights + ctr_y
    pred_ctr_z = dz * lengths + ctr_z
    pred_w = jnp.exp(dw) * widths
    pred_h = jnp.exp(dh) * heights
    pred_l = jnp.exp(dl) * lengths
    return jnp.stack([
        pred_ctr_x - pred_w * 0.5,
        pred_ctr_y - pred_h * 0.5,
        pred_ctr_z - pred_l * 0.5,
        pred_ctr_x + pred_w * 0.5,
        pred_ctr_y + pred_h * 0.5,
        pred_ctr_z + pred_l * 0.5,
    ], axis=1)


def _clip_boxes(boxes):
    return jnp.clip(boxes, 0.0, IM - 1.0)


def _iou3d(box, boxes):
    xx1 = jnp.maximum(box[0], boxes[:, 0])
    yy1 = jnp.maximum(box[1], boxes[:, 1])
    zz1 = jnp.maximum(box[2], boxes[:, 2])
    xx2 = jnp.minimum(box[3], boxes[:, 3])
    yy2 = jnp.minimum(box[4], boxes[:, 4])
    zz2 = jnp.minimum(box[5], boxes[:, 5])
    inter = (jnp.maximum(xx2 - xx1 + 1.0, 0.0)
             * jnp.maximum(yy2 - yy1 + 1.0, 0.0)
             * jnp.maximum(zz2 - zz1 + 1.0, 0.0))
    vols = ((boxes[:, 3] - boxes[:, 0] + 1.0)
            * (boxes[:, 4] - boxes[:, 1] + 1.0)
            * (boxes[:, 5] - boxes[:, 2] + 1.0))
    vol0 = ((box[3] - box[0] + 1.0)
            * (box[4] - box[1] + 1.0)
            * (box[5] - box[2] + 1.0))
    return inter / (vol0 + vols - inter)


def reference(anchors, rpn_bbox_pred, scores):
    # get_rois pipeline: bbox_transform_inv -> clip -> greedy NMS -> gather rois
    proposals = _clip_boxes(_bbox_transform_inv(anchors, rpn_bbox_pred))
    order = jnp.argsort(-scores)
    b = jnp.take(proposals, order, axis=0)
    s = jnp.take(scores, order, axis=0)
    suppressed = jnp.zeros((N,), dtype=bool)
    rows = []
    for _ in range(MAX_OUT):
        avail = jnp.logical_not(suppressed)
        idx = jnp.argmax(avail)
        valid = avail[idx]
        cur = b[idx]
        ious = _iou3d(cur, b)
        suppressed = jnp.where(valid, jnp.logical_or(suppressed, ious >= IOU_THRESH), suppressed)
        suppressed = suppressed.at[idx].set(True)
        row = jnp.concatenate([cur, s[idx][None]], axis=0)
        rows.append(jnp.where(valid, row, jnp.zeros((7,), dtype=jnp.float32)))
    return jnp.stack(rows, axis=0)  # [MAX_OUT, 7] = (x1,y1,z1,x2,y2,z2,score)

if __name__ == "__main__":
    import jax
    _d = setup_inputs()
    print(jax.jit(kernel)(*tuple(_d.values())))

</pallas_src>

<mosaic_0001>
#map = affine_map<(d0, d1) -> (0, 0)>
#map1 = affine_map<(d0, d1) -> (0)>
module attributes {stable_mosaic.version = 14 : i64} {
  func.func @_nms_body(%arg0: i32, %arg1: i32, %arg2: memref<6x20480xf32, #tpu.memory_space<hbm>>, %arg3: memref<6x20480xf32, #tpu.memory_space<hbm>>, %arg4: memref<20480xf32, #tpu.memory_space<hbm>>, %arg5: memref<2048xf32, #tpu.memory_space<hbm>>, %arg6: memref<1280xf32, #tpu.memory_space<vmem>>, %arg7: memref<1280xf32, #tpu.memory_space<vmem>>, %arg8: memref<1280xf32, #tpu.memory_space<vmem>>, %arg9: memref<1280xf32, #tpu.memory_space<vmem>>, %arg10: memref<1280xf32, #tpu.memory_space<vmem>>, %arg11: memref<1280xf32, #tpu.memory_space<vmem>>, %arg12: memref<1280xf32, #tpu.memory_space<vmem>>, %arg13: memref<1280xf32, #tpu.memory_space<vmem>>, %arg14: memref<1280xf32, #tpu.memory_space<vmem>>, %arg15: memref<1280xf32, #tpu.memory_space<vmem>>, %arg16: memref<1280xf32, #tpu.memory_space<vmem>>, %arg17: memref<1280xf32, #tpu.memory_space<vmem>>, %arg18: memref<1280xf32, #tpu.memory_space<vmem>>, %arg19: memref<1280xf32, #tpu.memory_space<vmem>>, %arg20: memref<16xf32, #tpu.memory_space<vmem>>, %arg21: memref<128xf32, #tpu.memory_space<vmem>>, %arg22: memref<2048xf32, #tpu.memory_space<vmem>>, %arg23: memref<256xf32, #tpu.memory_space<vmem_shared>>) attributes {dimension_semantics = [#tpu.dimension_semantics<core_parallel>, #tpu.dimension_semantics<subcore_parallel>], iteration_bounds = array<i64: 1, 16>, scalar_prefetch = 0 : i64, scratch_operands = 18 : i64, tpu.core_type = #tpu.core_type<sc_vector_subcore>, window_params = [{transform_indices = #map}, {transform_indices = #map}, {transform_indices = #map1}, {transform_indices = #map1}]} {
    %mul3A = arith.constant 1280 : i32
    %mul3A_0 = arith.muli %arg1, %mul3A : i32
    %convert_element_type3A = arith.sitofp %mul3A_0 : i32 to f32
    %run_scoped3A = arith.constant 0 : i32
    "tpu.region"() ({
      %run_scoped3A_30 = tpu.sem_alloc : memref<!tpu.dma_semaphore, #tpu.memory_space<semaphore_mem>>
      %dma_start3A = tpu.memref_slice %arg2[%run_scoped3A, %mul3A_0] : memref<6x20480xf32, #tpu.memory_space<hbm>> -> memref<1x1280xf32, #tpu.memory_space<hbm>>
      %dma_start3A_31 = tpu.memref_squeeze %dma_start3A : memref<1x1280xf32, #tpu.memory_space<hbm>> -> memref<1280xf32, #tpu.memory_space<hbm>>
      %dma_start3A_32 = tpu.memref_slice %arg2[%run_scoped3A, %mul3A_0] : memref<6x20480xf32, #tpu.memory_space<hbm>> -> memref<1x1280xf32, #tpu.memory_space<hbm>>
      %dma_start3A_33 = tpu.memref_squeeze %dma_start3A_32 : memref<1x1280xf32, #tpu.memory_space<hbm>> -> memref<1280xf32, #tpu.memory_space<hbm>>
      tpu.enqueue_dma source(%dma_start3A_33 : memref<1280xf32, #tpu.memory_space<hbm>>) target(%arg6 : memref<1280xf32, #tpu.memory_space<vmem>>) target_semaphore(%run_scoped3A_30 : memref<!tpu.dma_semaphore, #tpu.memory_space<semaphore_mem>>)
      %dma_wait3A = tpu.memref_slice %arg2[%run_scoped3A, %mul3A_0] : memref<6x20480xf32, #tpu.memory_space<hbm>> -> memref<1x1280xf32, #tpu.memory_space<hbm>>
      %dma_wait3A_34 = tpu.memref_squeeze %dma_wait3A : memref<1x1280xf32, #tpu.memory_space<hbm>> -> memref<1280xf32, #tpu.memory_space<hbm>>
      %dma_wait3A_35 = tpu.memref_slice %arg2[%run_scoped3A, %mul3A_0] : memref<6x20480xf32, #tpu.memory_space<hbm>> -> memref<1x1280xf32, #tpu.memory_space<hbm>>
      %dma_wait3A_36 = tpu.memref_squeeze %dma_wait3A_35 : memref<1x1280xf32, #tpu.memory_space<hbm>> -> memref<1280xf32, #tpu.memory_space<hbm>>
      tpu.wait_dma2 semaphore(%run_scoped3A_30 : memref<!tpu.dma_semaphore, #tpu.memory_space<semaphore_mem>>) src(%dma_wait3A_36 : memref<1280xf32, #tpu.memory_space<hbm>>) dst(%arg6 : memref<1280xf32, #tpu.memory_space<vmem>>)
      tpu.yield
    }) : () -> ()
    %run_scoped3A_1 = arith.constant 1 : i32
    "tpu.region"() ({
      %run_scoped3A_30 = tpu.sem_alloc : memref<!tpu.dma_semaphore, #tpu.memory_space<semaphore_mem>>
      %dma_start3A = tpu.memref_slice %arg2[%run_scoped3A_1, %mul3A_0] : memref<6x20480xf32, #tpu.memory_space<hbm>> -> memref<1x1280xf32, #tpu.memory_space<hbm>>
      %dma_start3A_31 = tpu.memref_squeeze %dma_start3A : memref<1x1280xf32, #tpu.memory_space<hbm>> -> memref<1280xf32, #tpu.memory_space<hbm>>
      %dma_start3A_32 = tpu.memref_slice %arg2[%run_scoped3A_1, %mul3A_0] : memref<6x20480xf32, #tpu.memory_space<hbm>> -> memref<1x1280xf32, #tpu.memory_space<hbm>>
      %dma_start3A_33 = tpu.memref_squeeze %dma_start3A_32 : memref<1x1280xf32, #tpu.memory_space<hbm>> -> memref<1280xf32, #tpu.memory_space<hbm>>
      tpu.enqueue_dma source(%dma_start3A_33 : memref<1280xf32, #tpu.memory_space<hbm>>) target(%arg7 : memref<1280xf32, #tpu.memory_space<vmem>>) target_semaphore(%run_scoped3A_30 : memref<!tpu.dma_semaphore, #tpu.memory_space<semaphore_mem>>)
      %dma_wait3A = tpu.memref_slice %arg2[%run_scoped3A_1, %mul3A_0] : memref<6x20480xf32, #tpu.memory_space<hbm>> -> memref<1x1280xf32, #tpu.memory_space<hbm>>
      %dma_wait3A_34 = tpu.memref_squeeze %dma_wait3A : memref<1x1280xf32, #tpu.memory_space<hbm>> -> memref<1280xf32, #tpu.memory_space<hbm>>
      %dma_wait3A_35 = tpu.memref_slice %arg2[%run_scoped3A_1, %mul3A_0] : memref<6x20480xf32, #tpu.memory_space<hbm>> -> memref<1x1280xf32, #tpu.memory_space<hbm>>
      %dma_wait3A_36 = tpu.memref_squeeze %dma_wait3A_35 : memref<1x1280xf32, #tpu.memory_space<hbm>> -> memref<1280xf32, #tpu.memory_space<hbm>>
      tpu.wait_dma2 semaphore(%run_scoped3A_30 : memref<!tpu.dma_semaphore, #tpu.memory_space<semaphore_mem>>) src(%dma_wait3A_36 : memref<1280xf32, #tpu.memory_space<hbm>>) dst(%arg7 : memref<1280xf32, #tpu.memory_space<vmem>>)
      tpu.yield
    }) : () -> ()
    %run_scoped3A_2 = arith.constant 2 : i32
    "tpu.region"() ({
      %run_scoped3A_30 = tpu.sem_alloc : memref<!tpu.dma_semaphore, #tpu.memory_space<semaphore_mem>>
      %dma_start3A = tpu.memref_slice %arg2[%run_scoped3A_2, %mul3A_0] : memref<6x20480xf32, #tpu.memory_space<hbm>> -> memref<1x1280xf32, #tpu.memory_space<hbm>>
      %dma_start3A_31 = tpu.memref_squeeze %dma_start3A : memref<1x1280xf32, #tpu.memory_space<hbm>> -> memref<1280xf32, #tpu.memory_space<hbm>>
      %dma_start3A_32 = tpu.memref_slice %arg2[%run_scoped3A_2, %mul3A_0] : memref<6x20480xf32, #tpu.memory_space<hbm>> -> memref<1x1280xf32, #tpu.memory_space<hbm>>
      %dma_start3A_33 = tpu.memref_squeeze %dma_start3A_32 : memref<1x1280xf32, #tpu.memory_space<hbm>> -> memref<1280xf32, #tpu.memory_space<hbm>>
      tpu.enqueue_dma source(%dma_start3A_33 : memref<1280xf32, #tpu.memory_space<hbm>>) target(%arg8 : memref<1280xf32, #tpu.memory_space<vmem>>) target_semaphore(%run_scoped3A_30 : memref<!tpu.dma_semaphore, #tpu.memory_space<semaphore_mem>>)
      %dma_wait3A = tpu.memref_slice %arg2[%run_scoped3A_2, %mul3A_0] : memref<6x20480xf32, #tpu.memory_space<hbm>> -> memref<1x1280xf32, #tpu.memory_space<hbm>>
      %dma_wait3A_34 = tpu.memref_squeeze %dma_wait3A : memref<1x1280xf32, #tpu.memory_space<hbm>> -> memref<1280xf32, #tpu.memory_space<hbm>>
      %dma_wait3A_35 = tpu.memref_slice %arg2[%run_scoped3A_2, %mul3A_0] : memref<6x20480xf32, #tpu.memory_space<hbm>> -> memref<1x1280xf32, #tpu.memory_space<hbm>>
      %dma_wait3A_36 = tpu.memref_squeeze %dma_wait3A_35 : memref<1x1280xf32, #tpu.memory_space<hbm>> -> memref<1280xf32, #tpu.memory_space<hbm>>
      tpu.wait_dma2 semaphore(%run_scoped3A_30 : memref<!tpu.dma_semaphore, #tpu.memory_space<semaphore_mem>>) src(%dma_wait3A_36 : memref<1280xf32, #tpu.memory_space<hbm>>) dst(%arg8 : memref<1280xf32, #tpu.memory_space<vmem>>)
      tpu.yield
    }) : () -> ()
    %run_scoped3A_3 = arith.constant 3 : i32
    "tpu.region"() ({
      %run_scoped3A_30 = tpu.sem_alloc : memref<!tpu.dma_semaphore, #tpu.memory_space<semaphore_mem>>
      %dma_start3A = tpu.memref_slice %arg2[%run_scoped3A_3, %mul3A_0] : memref<6x20480xf32, #tpu.memory_space<hbm>> -> memref<1x1280xf32, #tpu.memory_space<hbm>>
      %dma_start3A_31 = tpu.memref_squeeze %dma_start3A : memref<1x1280xf32, #tpu.memory_space<hbm>> -> memref<1280xf32, #tpu.memory_space<hbm>>
      %dma_start3A_32 = tpu.memref_slice %arg2[%run_scoped3A_3, %mul3A_0] : memref<6x20480xf32, #tpu.memory_space<hbm>> -> memref<1x1280xf32, #tpu.memory_space<hbm>>
      %dma_start3A_33 = tpu.memref_squeeze %dma_start3A_32 : memref<1x1280xf32, #tpu.memory_space<hbm>> -> memref<1280xf32, #tpu.memory_space<hbm>>
      tpu.enqueue_dma source(%dma_start3A_33 : memref<1280xf32, #tpu.memory_space<hbm>>) target(%arg9 : memref<1280xf32, #tpu.memory_space<vmem>>) target_semaphore(%run_scoped3A_30 : memref<!tpu.dma_semaphore, #tpu.memory_space<semaphore_mem>>)
      %dma_wait3A = tpu.memref_slice %arg2[%run_scoped3A_3, %mul3A_0] : memref<6x20480xf32, #tpu.memory_space<hbm>> -> memref<1x1280xf32, #tpu.memory_space<hbm>>
      %dma_wait3A_34 = tpu.memref_squeeze %dma_wait3A : memref<1x1280xf32, #tpu.memory_space<hbm>> -> memref<1280xf32, #tpu.memory_space<hbm>>
      %dma_wait3A_35 = tpu.memref_slice %arg2[%run_scoped3A_3, %mul3A_0] : memref<6x20480xf32, #tpu.memory_space<hbm>> -> memref<1x1280xf32, #tpu.memory_space<hbm>>
      %dma_wait3A_36 = tpu.memref_squeeze %dma_wait3A_35 : memref<1x1280xf32, #tpu.memory_space<hbm>> -> memref<1280xf32, #tpu.memory_space<hbm>>
      tpu.wait_dma2 semaphore(%run_scoped3A_30 : memref<!tpu.dma_semaphore, #tpu.memory_space<semaphore_mem>>) src(%dma_wait3A_36 : memref<1280xf32, #tpu.memory_space<hbm>>) dst(%arg9 : memref<1280xf32, #tpu.memory_space<vmem>>)
      tpu.yield
    }) : () -> ()
    %run_scoped3A_4 = arith.constant 4 : i32
    "tpu.region"() ({
      %run_scoped3A_30 = tpu.sem_alloc : memref<!tpu.dma_semaphore, #tpu.memory_space<semaphore_mem>>
      %dma_start3A = tpu.memref_slice %arg2[%run_scoped3A_4, %mul3A_0] : memref<6x20480xf32, #tpu.memory_space<hbm>> -> memref<1x1280xf32, #tpu.memory_space<hbm>>
      %dma_start3A_31 = tpu.memref_squeeze %dma_start3A : memref<1x1280xf32, #tpu.memory_space<hbm>> -> memref<1280xf32, #tpu.memory_space<hbm>>
      %dma_start3A_32 = tpu.memref_slice %arg2[%run_scoped3A_4, %mul3A_0] : memref<6x20480xf32, #tpu.memory_space<hbm>> -> memref<1x1280xf32, #tpu.memory_space<hbm>>
      %dma_start3A_33 = tpu.memref_squeeze %dma_start3A_32 : memref<1x1280xf32, #tpu.memory_space<hbm>> -> memref<1280xf32, #tpu.memory_space<hbm>>
      tpu.enqueue_dma source(%dma_start3A_33 : memref<1280xf32, #tpu.memory_space<hbm>>) target(%arg10 : memref<1280xf32, #tpu.memory_space<vmem>>) target_semaphore(%run_scoped3A_30 : memref<!tpu.dma_semaphore, #tpu.memory_space<semaphore_mem>>)
      %dma_wait3A = tpu.memref_slice %arg2[%run_scoped3A_4, %mul3A_0] : memref<6x20480xf32, #tpu.memory_space<hbm>> -> memref<1x1280xf32, #tpu.memory_space<hbm>>
      %dma_wait3A_34 = tpu.memref_squeeze %dma_wait3A : memref<1x1280xf32, #tpu.memory_space<hbm>> -> memref<1280xf32, #tpu.memory_space<hbm>>
      %dma_wait3A_35 = tpu.memref_slice %arg2[%run_scoped3A_4, %mul3A_0] : memref<6x20480xf32, #tpu.memory_space<hbm>> -> memref<1x1280xf32, #tpu.memory_space<hbm>>
      %dma_wait3A_36 = tpu.memref_squeeze %dma_wait3A_35 : memref<1x1280xf32, #tpu.memory_space<hbm>> -> memref<1280xf32, #tpu.memory_space<hbm>>
      tpu.wait_dma2 semaphore(%run_scoped3A_30 : memref<!tpu.dma_semaphore, #tpu.memory_space<semaphore_mem>>) src(%dma_wait3A_36 : memref<1280xf32, #tpu.memory_space<hbm>>) dst(%arg10 : memref<1280xf32, #tpu.memory_space<vmem>>)
      tpu.yield
    }) : () -> ()
    %run_scoped3A_5 = arith.constant 5 : i32
    "tpu.region"() ({
      %run_scoped3A_30 = tpu.sem_alloc : memref<!tpu.dma_semaphore, #tpu.memory_space<semaphore_mem>>
      %dma_start3A = tpu.memref_slice %arg2[%run_scoped3A_5, %mul3A_0] : memref<6x20480xf32, #tpu.memory_space<hbm>> -> memref<1x1280xf32, #tpu.memory_space<hbm>>
      %dma_start3A_31 = tpu.memref_squeeze %dma_start3A : memref<1x1280xf32, #tpu.memory_space<hbm>> -> memref<1280xf32, #tpu.memory_space<hbm>>
      %dma_start3A_32 = tpu.memref_slice %arg2[%run_scoped3A_5, %mul3A_0] : memref<6x20480xf32, #tpu.memory_space<hbm>> -> memref<1x1280xf32, #tpu.memory_space<hbm>>
      %dma_start3A_33 = tpu.memref_squeeze %dma_start3A_32 : memref<1x1280xf32, #tpu.memory_space<hbm>> -> memref<1280xf32, #tpu.memory_space<hbm>>
      tpu.enqueue_dma source(%dma_start3A_33 : memref<1280xf32, #tpu.memory_space<hbm>>) target(%arg11 : memref<1280xf32, #tpu.memory_space<vmem>>) target_semaphore(%run_scoped3A_30 : memref<!tpu.dma_semaphore, #tpu.memory_space<semaphore_mem>>)
      %dma_wait3A = tpu.memref_slice %arg2[%run_scoped3A_5, %mul3A_0] : memref<6x20480xf32, #tpu.memory_space<hbm>> -> memref<1x1280xf32, #tpu.memory_space<hbm>>
      %dma_wait3A_34 = tpu.memref_squeeze %dma_wait3A : memref<1x1280xf32, #tpu.memory_space<hbm>> -> memref<1280xf32, #tpu.memory_space<hbm>>
      %dma_wait3A_35 = tpu.memref_slice %arg2[%run_scoped3A_5, %mul3A_0] : memref<6x20480xf32, #tpu.memory_space<hbm>> -> memref<1x1280xf32, #tpu.memory_space<hbm>>
      %dma_wait3A_36 = tpu.memref_squeeze %dma_wait3A_35 : memref<1x1280xf32, #tpu.memory_space<hbm>> -> memref<1280xf32, #tpu.memory_space<hbm>>
      tpu.wait_dma2 semaphore(%run_scoped3A_30 : memref<!tpu.dma_semaphore, #tpu.memory_space<semaphore_mem>>) src(%dma_wait3A_36 : memref<1280xf32, #tpu.memory_space<hbm>>) dst(%arg11 : memref<1280xf32, #tpu.memory_space<vmem>>)
      tpu.yield
    }) : () -> ()
    %run_scoped3A_6 = arith.constant 0 : i32
    "tpu.region"() ({
      %run_scoped3A_30 = tpu.sem_alloc : memref<!tpu.dma_semaphore, #tpu.memory_space<semaphore_mem>>
      %dma_start3A = tpu.memref_slice %arg3[%run_scoped3A_6, %mul3A_0] : memref<6x20480xf32, #tpu.memory_space<hbm>> -> memref<1x1280xf32, #tpu.memory_space<hbm>>
      %dma_start3A_31 = tpu.memref_squeeze %dma_start3A : memref<1x1280xf32, #tpu.memory_space<hbm>> -> memref<1280xf32, #tpu.memory_space<hbm>>
      %dma_start3A_32 = tpu.memref_slice %arg3[%run_scoped3A_6, %mul3A_0] : memref<6x20480xf32, #tpu.memory_space<hbm>> -> memref<1x1280xf32, #tpu.memory_space<hbm>>
      %dma_start3A_33 = tpu.memref_squeeze %dma_start3A_32 : memref<1x1280xf32, #tpu.memory_space<hbm>> -> memref<1280xf32, #tpu.memory_space<hbm>>
      tpu.enqueue_dma source(%dma_start3A_33 : memref<1280xf32, #tpu.memory_space<hbm>>) target(%arg12 : memref<1280xf32, #tpu.memory_space<vmem>>) target_semaphore(%run_scoped3A_30 : memref<!tpu.dma_semaphore, #tpu.memory_space<semaphore_mem>>)
      %dma_wait3A = tpu.memref_slice %arg3[%run_scoped3A_6, %mul3A_0] : memref<6x20480xf32, #tpu.memory_space<hbm>> -> memref<1x1280xf32, #tpu.memory_space<hbm>>
      %dma_wait3A_34 = tpu.memref_squeeze %dma_wait3A : memref<1x1280xf32, #tpu.memory_space<hbm>> -> memref<1280xf32, #tpu.memory_space<hbm>>
      %dma_wait3A_35 = tpu.memref_slice %arg3[%run_scoped3A_6, %mul3A_0] : memref<6x20480xf32, #tpu.memory_space<hbm>> -> memref<1x1280xf32, #tpu.memory_space<hbm>>
      %dma_wait3A_36 = tpu.memref_squeeze %dma_wait3A_35 : memref<1x1280xf32, #tpu.memory_space<hbm>> -> memref<1280xf32, #tpu.memory_space<hbm>>
      tpu.wait_dma2 semaphore(%run_scoped3A_30 : memref<!tpu.dma_semaphore, #tpu.memory_space<semaphore_mem>>) src(%dma_wait3A_36 : memref<1280xf32, #tpu.memory_space<hbm>>) dst(%arg12 : memref<1280xf32, #tpu.memory_space<vmem>>)
      tpu.yield
    }) : () -> ()
    %run_scoped3A_7 = arith.constant 1 : i32
    "tpu.region"() ({
      %run_scoped3A_30 = tpu.sem_alloc : memref<!tpu.dma_semaphore, #tpu.memory_space<semaphore_mem>>
      %dma_start3A = tpu.memref_slice %arg3[%run_scoped3A_7, %mul3A_0] : memref<6x20480xf32, #tpu.memory_space<hbm>> -> memref<1x1280xf32, #tpu.memory_space<hbm>>
      %dma_start3A_31 = tpu.memref_squeeze %dma_start3A : memref<1x1280xf32, #tpu.memory_space<hbm>> -> memref<1280xf32, #tpu.memory_space<hbm>>
      %dma_start3A_32 = tpu.memref_slice %arg3[%run_scoped3A_7, %mul3A_0] : memref<6x20480xf32, #tpu.memory_space<hbm>> -> memref<1x1280xf32, #tpu.memory_space<hbm>>
      %dma_start3A_33 = tpu.memref_squeeze %dma_start3A_32 : memref<1x1280xf32, #tpu.memory_space<hbm>> -> memref<1280xf32, #tpu.memory_space<hbm>>
      tpu.enqueue_dma source(%dma_start3A_33 : memref<1280xf32, #tpu.memory_space<hbm>>) target(%arg13 : memref<1280xf32, #tpu.memory_space<vmem>>) target_semaphore(%run_scoped3A_30 : memref<!tpu.dma_semaphore, #tpu.memory_space<semaphore_mem>>)
      %dma_wait3A = tpu.memref_slice %arg3[%run_scoped3A_7, %mul3A_0] : memref<6x20480xf32, #tpu.memory_space<hbm>> -> memref<1x1280xf32, #tpu.memory_space<hbm>>
      %dma_wait3A_34 = tpu.memref_squeeze %dma_wait3A : memref<1x1280xf32, #tpu.memory_space<hbm>> -> memref<1280xf32, #tpu.memory_space<hbm>>
      %dma_wait3A_35 = tpu.memref_slice %arg3[%run_scoped3A_7, %mul3A_0] : memref<6x20480xf32, #tpu.memory_space<hbm>> -> memref<1x1280xf32, #tpu.memory_space<hbm>>
      %dma_wait3A_36 = tpu.memref_squeeze %dma_wait3A_35 : memref<1x1280xf32, #tpu.memory_space<hbm>> -> memref<1280xf32, #tpu.memory_space<hbm>>
      tpu.wait_dma2 semaphore(%run_scoped3A_30 : memref<!tpu.dma_semaphore, #tpu.memory_space<semaphore_mem>>) src(%dma_wait3A_36 : memref<1280xf32, #tpu.memory_space<hbm>>) dst(%arg13 : memref<1280xf32, #tpu.memory_space<vmem>>)
      tpu.yield
    }) : () -> ()
    %run_scoped3A_8 = arith.constant 2 : i32
    "tpu.region"() ({
      %run_scoped3A_30 = tpu.sem_alloc : memref<!tpu.dma_semaphore, #tpu.memory_space<semaphore_mem>>
      %dma_start3A = tpu.memref_slice %arg3[%run_scoped3A_8, %mul3A_0] : memref<6x20480xf32, #tpu.memory_space<hbm>> -> memref<1x1280xf32, #tpu.memory_space<hbm>>
      %dma_start3A_31 = tpu.memref_squeeze %dma_start3A : memref<1x1280xf32, #tpu.memory_space<hbm>> -> memref<1280xf32, #tpu.memory_space<hbm>>
      %dma_start3A_32 = tpu.memref_slice %arg3[%run_scoped3A_8, %mul3A_0] : memref<6x20480xf32, #tpu.memory_space<hbm>> -> memref<1x1280xf32, #tpu.memory_space<hbm>>
      %dma_start3A_33 = tpu.memref_squeeze %dma_start3A_32 : memref<1x1280xf32, #tpu.memory_space<hbm>> -> memref<1280xf32, #tpu.memory_space<hbm>>
      tpu.enqueue_dma source(%dma_start3A_33 : memref<1280xf32, #tpu.memory_space<hbm>>) target(%arg14 : memref<1280xf32, #tpu.memory_space<vmem>>) target_semaphore(%run_scoped3A_30 : memref<!tpu.dma_semaphore, #tpu.memory_space<semaphore_mem>>)
      %dma_wait3A = tpu.memref_slice %arg3[%run_scoped3A_8, %mul3A_0] : memref<6x20480xf32, #tpu.memory_space<hbm>> -> memref<1x1280xf32, #tpu.memory_space<hbm>>
      %dma_wait3A_34 = tpu.memref_squeeze %dma_wait3A : memref<1x1280xf32, #tpu.memory_space<hbm>> -> memref<1280xf32, #tpu.memory_space<hbm>>
      %dma_wait3A_35 = tpu.memref_slice %arg3[%run_scoped3A_8, %mul3A_0] : memref<6x20480xf32, #tpu.memory_space<hbm>> -> memref<1x1280xf32, #tpu.memory_space<hbm>>
      %dma_wait3A_36 = tpu.memref_squeeze %dma_wait3A_35 : memref<1x1280xf32, #tpu.memory_space<hbm>> -> memref<1280xf32, #tpu.memory_space<hbm>>
      tpu.wait_dma2 semaphore(%run_scoped3A_30 : memref<!tpu.dma_semaphore, #tpu.memory_space<semaphore_mem>>) src(%dma_wait3A_36 : memref<1280xf32, #tpu.memory_space<hbm>>) dst(%arg14 : memref<1280xf32, #tpu.memory_space<vmem>>)
      tpu.yield
    }) : () -> ()
    %run_scoped3A_9 = arith.constant 3 : i32
    "tpu.region"() ({
      %run_scoped3A_30 = tpu.sem_alloc : memref<!tpu.dma_semaphore, #tpu.memory_space<semaphore_mem>>
      %dma_start3A = tpu.memref_slice %arg3[%run_scoped3A_9, %mul3A_0] : memref<6x20480xf32, #tpu.memory_space<hbm>> -> memref<1x1280xf32, #tpu.memory_space<hbm>>
      %dma_start3A_31 = tpu.memref_squeeze %dma_start3A : memref<1x1280xf32, #tpu.memory_space<hbm>> -> memref<1280xf32, #tpu.memory_space<hbm>>
      %dma_start3A_32 = tpu.memref_slice %arg3[%run_scoped3A_9, %mul3A_0] : memref<6x20480xf32, #tpu.memory_space<hbm>> -> memref<1x1280xf32, #tpu.memory_space<hbm>>
      %dma_start3A_33 = tpu.memref_squeeze %dma_start3A_32 : memref<1x1280xf32, #tpu.memory_space<hbm>> -> memref<1280xf32, #tpu.memory_space<hbm>>
      tpu.enqueue_dma source(%dma_start3A_33 : memref<1280xf32, #tpu.memory_space<hbm>>) target(%arg15 : memref<1280xf32, #tpu.memory_space<vmem>>) target_semaphore(%run_scoped3A_30 : memref<!tpu.dma_semaphore, #tpu.memory_space<semaphore_mem>>)
      %dma_wait3A = tpu.memref_slice %arg3[%run_scoped3A_9, %mul3A_0] : memref<6x20480xf32, #tpu.memory_space<hbm>> -> memref<1x1280xf32, #tpu.memory_space<hbm>>
      %dma_wait3A_34 = tpu.memref_squeeze %dma_wait3A : memref<1x1280xf32, #tpu.memory_space<hbm>> -> memref<1280xf32, #tpu.memory_space<hbm>>
      %dma_wait3A_35 = tpu.memref_slice %arg3[%run_scoped3A_9, %mul3A_0] : memref<6x20480xf32, #tpu.memory_space<hbm>> -> memref<1x1280xf32, #tpu.memory_space<hbm>>
      %dma_wait3A_36 = tpu.memref_squeeze %dma_wait3A_35 : memref<1x1280xf32, #tpu.memory_space<hbm>> -> memref<1280xf32, #tpu.memory_space<hbm>>
      tpu.wait_dma2 semaphore(%run_scoped3A_30 : memref<!tpu.dma_semaphore, #tpu.memory_space<semaphore_mem>>) src(%dma_wait3A_36 : memref<1280xf32, #tpu.memory_space<hbm>>) dst(%arg15 : memref<1280xf32, #tpu.memory_space<vmem>>)
      tpu.yield
    }) : () -> ()
    %run_scoped3A_10 = arith.constant 4 : i32
    "tpu.region"() ({
      %run_scoped3A_30 = tpu.sem_alloc : memref<!tpu.dma_semaphore, #tpu.memory_space<semaphore_mem>>
      %dma_start3A = tpu.memref_slice %arg3[%run_scoped3A_10, %mul3A_0] : memref<6x20480xf32, #tpu.memory_space<hbm>> -> memref<1x1280xf32, #tpu.memory_space<hbm>>
      %dma_start3A_31 = tpu.memref_squeeze %dma_start3A : memref<1x1280xf32, #tpu.memory_space<hbm>> -> memref<1280xf32, #tpu.memory_space<hbm>>
      %dma_start3A_32 = tpu.memref_slice %arg3[%run_scoped3A_10, %mul3A_0] : memref<6x20480xf32, #tpu.memory_space<hbm>> -> memref<1x1280xf32, #tpu.memory_space<hbm>>
      %dma_start3A_33 = tpu.memref_squeeze %dma_start3A_32 : memref<1x1280xf32, #tpu.memory_space<hbm>> -> memref<1280xf32, #tpu.memory_space<hbm>>
      tpu.enqueue_dma source(%dma_start3A_33 : memref<1280xf32, #tpu.memory_space<hbm>>) target(%arg16 : memref<1280xf32, #tpu.memory_space<vmem>>) target_semaphore(%run_scoped3A_30 : memref<!tpu.dma_semaphore, #tpu.memory_space<semaphore_mem>>)
      %dma_wait3A = tpu.memref_slice %arg3[%run_scoped3A_10, %mul3A_0] : memref<6x20480xf32, #tpu.memory_space<hbm>> -> memref<1x1280xf32, #tpu.memory_space<hbm>>
      %dma_wait3A_34 = tpu.memref_squeeze %dma_wait3A : memref<1x1280xf32, #tpu.memory_space<hbm>> -> memref<1280xf32, #tpu.memory_space<hbm>>
      %dma_wait3A_35 = tpu.memref_slice %arg3[%run_scoped3A_10, %mul3A_0] : memref<6x20480xf32, #tpu.memory_space<hbm>> -> memref<1x1280xf32, #tpu.memory_space<hbm>>
      %dma_wait3A_36 = tpu.memref_squeeze %dma_wait3A_35 : memref<1x1280xf32, #tpu.memory_space<hbm>> -> memref<1280xf32, #tpu.memory_space<hbm>>
      tpu.wait_dma2 semaphore(%run_scoped3A_30 : memref<!tpu.dma_semaphore, #tpu.memory_space<semaphore_mem>>) src(%dma_wait3A_36 : memref<1280xf32, #tpu.memory_space<hbm>>) dst(%arg16 : memref<1280xf32, #tpu.memory_space<vmem>>)
      tpu.yield
    }) : () -> ()
    %run_scoped3A_11 = arith.constant 5 : i32
    "tpu.region"() ({
      %run_scoped3A_30 = tpu.sem_alloc : memref<!tpu.dma_semaphore, #tpu.memory_space<semaphore_mem>>
      %dma_start3A = tpu.memref_slice %arg3[%run_scoped3A_11, %mul3A_0] : memref<6x20480xf32, #tpu.memory_space<hbm>> -> memref<1x1280xf32, #tpu.memory_space<hbm>>
      %dma_start3A_31 = tpu.memref_squeeze %dma_start3A : memref<1x1280xf32, #tpu.memory_space<hbm>> -> memref<1280xf32, #tpu.memory_space<hbm>>
      %dma_start3A_32 = tpu.memref_slice %arg3[%run_scoped3A_11, %mul3A_0] : memref<6x20480xf32, #tpu.memory_space<hbm>> -> memref<1x1280xf32, #tpu.memory_space<hbm>>
      %dma_start3A_33 = tpu.memref_squeeze %dma_start3A_32 : memref<1x1280xf32, #tpu.memory_space<hbm>> -> memref<1280xf32, #tpu.memory_space<hbm>>
      tpu.enqueue_dma source(%dma_start3A_33 : memref<1280xf32, #tpu.memory_space<hbm>>) target(%arg17 : memref<1280xf32, #tpu.memory_space<vmem>>) target_semaphore(%run_scoped3A_30 : memref<!tpu.dma_semaphore, #tpu.memory_space<semaphore_mem>>)
      %dma_wait3A = tpu.memref_slice %arg3[%run_scoped3A_11, %mul3A_0] : memref<6x20480xf32, #tpu.memory_space<hbm>> -> memref<1x1280xf32, #tpu.memory_space<hbm>>
      %dma_wait3A_34 = tpu.memref_squeeze %dma_wait3A : memref<1x1280xf32, #tpu.memory_space<hbm>> -> memref<1280xf32, #tpu.memory_space<hbm>>
      %dma_wait3A_35 = tpu.memref_slice %arg3[%run_scoped3A_11, %mul3A_0] : memref<6x20480xf32, #tpu.memory_space<hbm>> -> memref<1x1280xf32, #tpu.memory_space<hbm>>
      %dma_wait3A_36 = tpu.memref_squeeze %dma_wait3A_35 : memref<1x1280xf32, #tpu.memory_space<hbm>> -> memref<1280xf32, #tpu.memory_space<hbm>>
      tpu.wait_dma2 semaphore(%run_scoped3A_30 : memref<!tpu.dma_semaphore, #tpu.memory_space<semaphore_mem>>) src(%dma_wait3A_36 : memref<1280xf32, #tpu.memory_space<hbm>>) dst(%arg17 : memref<1280xf32, #tpu.memory_space<vmem>>)
      tpu.yield
    }) : () -> ()
    "tpu.region"() ({
      %run_scoped3A_30 = tpu.sem_alloc : memref<!tpu.dma_semaphore, #tpu.memory_space<semaphore_mem>>
      %dma_start3A = tpu.memref_slice %arg4[%mul3A_0] : memref<20480xf32, #tpu.memory_space<hbm>> -> memref<1280xf32, #tpu.memory_space<hbm>>
      %dma_start3A_31 = tpu.memref_slice %arg4[%mul3A_0] : memref<20480xf32, #tpu.memory_space<hbm>> -> memref<1280xf32, #tpu.memory_space<hbm>>
      tpu.enqueue_dma source(%dma_start3A_31 : memref<1280xf32, #tpu.memory_space<hbm>>) target(%arg19 : memref<1280xf32, #tpu.memory_space<vmem>>) target_semaphore(%run_scoped3A_30 : memref<!tpu.dma_semaphore, #tpu.memory_space<semaphore_mem>>)
      %dma_wait3A = tpu.memref_slice %arg4[%mul3A_0] : memref<20480xf32, #tpu.memory_space<hbm>> -> memref<1280xf32, #tpu.memory_space<hbm>>
      %dma_wait3A_32 = tpu.memref_slice %arg4[%mul3A_0] : memref<20480xf32, #tpu.memory_space<hbm>> -> memref<1280xf32, #tpu.memory_space<hbm>>
      tpu.wait_dma2 semaphore(%run_scoped3A_30 : memref<!tpu.dma_semaphore, #tpu.memory_space<semaphore_mem>>) src(%dma_wait3A_32 : memref<1280xf32, #tpu.memory_space<hbm>>) dst(%arg19 : memref<1280xf32, #tpu.memory_space<vmem>>)
      tpu.yield
    }) : () -> ()
    %iota3A = tpu.iota {dimensions = array<i32: 0>} : vector<16xi32>
    %convert_element_type3A_12 = arith.sitofp %iota3A : vector<16xi32> to vector<16xf32>
    %broadcast_in_dim3A = arith.constant 0xFF800000 : f32
    %broadcast_in_dim3A_13 = vector.broadcast %broadcast_in_dim3A : f32 to vector<16xf32>
    %broadcast_in_dim3A_14 = arith.constant 1.000000e+09 : f32
    %broadcast_in_dim3A_15 = vector.broadcast %broadcast_in_dim3A_14 : f32 to vector<16xf32>
    %scan3A = arith.constant 0 : i32
    %scan3A_16 = arith.constant 80 : i32
    %scan3A_17 = arith.addi %scan3A, %scan3A_16 : i32
    %scan3A_18 = arith.constant 1 : i32
    %scan3A_19:2 = scf.for %scan3A_30 = %scan3A to %scan3A_17 step %scan3A_18 iter_args(%scan3A_31 = %broadcast_in_dim3A_13, %scan3A_32 = %broadcast_in_dim3A_15) -> (vector<16xf32>, vector<16xf32>)  : i32 {
      %mul3A_33 = arith.constant 16 : i32
      %mul3A_34 = arith.muli %scan3A_30, %mul3A_33 : i32
      %get3A = arith.index_cast %mul3A_34 : i32 to index
      %get3A_35 = tpu.vector_load %arg6[%get3A] {strides = array<i32>} : memref<1280xf32, #tpu.memory_space<vmem>>, vector<16xf32>,
      %get3A_36 = arith.index_cast %mul3A_34 : i32 to index
      %get3A_37 = tpu.vector_load %arg7[%get3A_36] {strides = array<i32>} : memref<1280xf32, #tpu.memory_space<vmem>>, vector<16xf32>,
      %get3A_38 = arith.index_cast %mul3A_34 : i32 to index
      %get3A_39 = tpu.vector_load %arg8[%get3A_38] {strides = array<i32>} : memref<1280xf32, #tpu.memory_space<vmem>>, vector<16xf32>,
      %get3A_40 = arith.index_cast %mul3A_34 : i32 to index
      %get3A_41 = tpu.vector_load %arg9[%get3A_40] {strides = array<i32>} : memref<1280xf32, #tpu.memory_space<vmem>>, vector<16xf32>,
      %get3A_42 = arith.index_cast %mul3A_34 : i32 to index
      %get3A_43 = tpu.vector_load %arg10[%get3A_42] {strides = array<i32>} : memref<1280xf32, #tpu.memory_space<vmem>>, vector<16xf32>,
      %get3A_44 = arith.index_cast %mul3A_34 : i32 to index
      %get3A_45 = tpu.vector_load %arg11[%get3A_44] {strides = array<i32>} : memref<1280xf32, #tpu.memory_space<vmem>>, vector<16xf32>,
      %get3A_46 = arith.index_cast %mul3A_34 : i32 to index
      %get3A_47 = tpu.vector_load %arg12[%get3A_46] {strides = array<i32>} : memref<1280xf32, #tpu.memory_space<vmem>>, vector<16xf32>,
      %get3A_48 = arith.index_cast %mul3A_34 : i32 to index
      %get3A_49 = tpu.vector_load %arg13[%get3A_48] {strides = array<i32>} : memref<1280xf32, #tpu.memory_space<vmem>>, vector<16xf32>,
      %get3A_50 = arith.index_cast %mul3A_34 : i32 to index
      %get3A_51 = tpu.vector_load %arg14[%get3A_50] {strides = array<i32>} : memref<1280xf32, #tpu.memory_space<vmem>>, vector<16xf32>,
      %get3A_52 = arith.index_cast %mul3A_34 : i32 to index
      %get3A_53 = tpu.vector_load %arg15[%get3A_52] {strides = array<i32>} : memref<1280xf32, #tpu.memory_space<vmem>>, vector<16xf32>,
      %get3A_54 = arith.index_cast %mul3A_34 : i32 to index
      %get3A_55 = tpu.vector_load %arg16[%get3A_54] {strides = array<i32>} : memref<1280xf32, #tpu.memory_space<vmem>>, vector<16xf32>,
      %get3A_56 = arith.index_cast %mul3A_34 : i32 to index
      %get3A_57 = tpu.vector_load %arg17[%get3A_56] {strides = array<i32>} : memref<1280xf32, #tpu.memory_space<vmem>>, vector<16xf32>,
      %sub3A = arith.subf %get3A_41, %get3A_35 : vector<16xf32>
      %add3A = arith.constant 1.000000e+00 : f32
      %add3A_58 = vector.broadcast %add3A : f32 to vector<16xf32>
      %add3A_59 = arith.addf %sub3A, %add3A_58 : vector<16xf32>
      %sub3A_60 = arith.subf %get3A_43, %get3A_37 : vector<16xf32>
      %add3A_61 = arith.constant 1.000000e+00 : f32
      %add3A_62 = vector.broadcast %add3A_61 : f32 to vector<16xf32>
      %add3A_63 = arith.addf %sub3A_60, %add3A_62 : vector<16xf32>
      %sub3A_64 = arith.subf %get3A_45, %get3A_39 : vector<16xf32>
      %add3A_65 = arith.constant 1.000000e+00 : f32
      %add3A_66 = vector.broadcast %add3A_65 : f32 to vector<16xf32>
      %add3A_67 = arith.addf %sub3A_64, %add3A_66 : vector<16xf32>
      %mul3A_68 = arith.constant 5.000000e-01 : f32
      %mul3A_69 = vector.broadcast %mul3A_68 : f32 to vector<16xf32>
      %mul3A_70 = arith.mulf %add3A_59, %mul3A_69 : vector<16xf32>
      %add3A_71 = arith.addf %get3A_35, %mul3A_70 : vector<16xf32>
      %mul3A_72 = arith.constant 5.000000e-01 : f32
      %mul3A_73 = vector.broadcast %mul3A_72 : f32 to vector<16xf32>
      %mul3A_74 = arith.mulf %add3A_63, %mul3A_73 : vector<16xf32>
      %add3A_75 = arith.addf %get3A_37, %mul3A_74 : vector<16xf32>
      %mul3A_76 = arith.constant 5.000000e-01 : f32
      %mul3A_77 = vector.broadcast %mul3A_76 : f32 to vector<16xf32>
      %mul3A_78 = arith.mulf %add3A_67, %mul3A_77 : vector<16xf32>
      %add3A_79 = arith.addf %get3A_39, %mul3A_78 : vector<16xf32>
      %mul3A_80 = arith.mulf %get3A_47, %add3A_59 : vector<16xf32>
      %add3A_81 = arith.addf %mul3A_80, %add3A_71 : vector<16xf32>
      %mul3A_82 = arith.mulf %get3A_49, %add3A_63 : vector<16xf32>
      %add3A_83 = arith.addf %mul3A_82, %add3A_75 : vector<16xf32>
      %mul3A_84 = arith.mulf %get3A_51, %add3A_67 : vector<16xf32>
      %add3A_85 = arith.addf %mul3A_84, %add3A_79 : vector<16xf32>
      %exp3A = math.exp %get3A_53 : vector<16xf32>
      %mul3A_86 = arith.mulf %exp3A, %add3A_59 : vector<16xf32>
      %exp3A_87 = math.exp %get3A_55 : vector<16xf32>
      %mul3A_88 = arith.mulf %exp3A_87, %add3A_63 : vector<16xf32>
      %exp3A_89 = math.exp %get3A_57 : vector<16xf32>
      %mul3A_90 = arith.mulf %exp3A_89, %add3A_67 : vector<16xf32>
      %mul3A_91 = arith.constant 5.000000e-01 : f32
      %mul3A_92 = vector.broadcast %mul3A_91 : f32 to vector<16xf32>
      %mul3A_93 = arith.mulf %mul3A_86, %mul3A_92 : vector<16xf32>
      %sub3A_94 = arith.subf %add3A_81, %mul3A_93 : vector<16xf32>
      %jit3A = arith.constant 0.000000e+00 : f32
      %jit3A_95 = arith.constant 2.230000e+02 : f32
      %max3A = vector.broadcast %jit3A : f32 to vector<16xf32>
      %max3A_96 = arith.maximumf %max3A, %sub3A_94 : vector<16xf32>
      %min3A = vector.broadcast %jit3A_95 : f32 to vector<16xf32>
      %min3A_97 = arith.minimumf %min3A, %max3A_96 : vector<16xf32>
      %mul3A_98 = arith.constant 5.000000e-01 : f32
      %mul3A_99 = vector.broadcast %mul3A_98 : f32 to vector<16xf32>
      %mul3A_100 = arith.mulf %mul3A_88, %mul3A_99 : vector<16xf32>
      %sub3A_101 = arith.subf %add3A_83, %mul3A_100 : vector<16xf32>
      %jit3A_102 = arith.constant 0.000000e+00 : f32
      %jit3A_103 = arith.constant 2.230000e+02 : f32
      %max3A_104 = vector.broadcast %jit3A_102 : f32 to vector<16xf32>
      %max3A_105 = arith.maximumf %max3A_104, %sub3A_101 : vector<16xf32>
      %min3A_106 = vector.broadcast %jit3A_103 : f32 to vector<16xf32>
      %min3A_107 = arith.minimumf %min3A_106, %max3A_105 : vector<16xf32>
      %mul3A_108 = arith.constant 5.000000e-01 : f32
      %mul3A_109 = vector.broadcast %mul3A_108 : f32 to vector<16xf32>
      %mul3A_110 = arith.mulf %mul3A_90, %mul3A_109 : vector<16xf32>
      %sub3A_111 = arith.subf %add3A_85, %mul3A_110 : vector<16xf32>
      %jit3A_112 = arith.constant 0.000000e+00 : f32
      %jit3A_113 = arith.constant 2.230000e+02 : f32
      %max3A_114 = vector.broadcast %jit3A_112 : f32 to vector<16xf32>
      %max3A_115 = arith.maximumf %max3A_114, %sub3A_111 : vector<16xf32>
      %min3A_116 = vector.broadcast %jit3A_113 : f32 to vector<16xf32>
      %min3A_117 = arith.minimumf %min3A_116, %max3A_115 : vector<16xf32>
      %mul3A_118 = arith.constant 5.000000e-01 : f32
      %mul3A_119 = vector.broadcast %mul3A_118 : f32 to vector<16xf32>
      %mul3A_120 = arith.mulf %mul3A_86, %mul3A_119 : vector<16xf32>
      %add3A_121 = arith.addf %add3A_81, %mul3A_120 : vector<16xf32>
      %jit3A_122 = arith.constant 0.000000e+00 : f32
      %jit3A_123 = arith.constant 2.230000e+02 : f32
      %max3A_124 = vector.broadcast %jit3A_122 : f32 to vector<16xf32>
      %max3A_125 = arith.maximumf %max3A_124, %add3A_121 : vector<16xf32>
      %min3A_126 = vector.broadcast %jit3A_123 : f32 to vector<16xf32>
      %min3A_127 = arith.minimumf %min3A_126, %max3A_125 : vector<16xf32>
      %mul3A_128 = arith.constant 5.000000e-01 : f32
      %mul3A_129 = vector.broadcast %mul3A_128 : f32 to vector<16xf32>
      %mul3A_130 = arith.mulf %mul3A_88, %mul3A_129 : vector<16xf32>
      %add3A_131 = arith.addf %add3A_83, %mul3A_130 : vector<16xf32>
      %jit3A_132 = arith.constant 0.000000e+00 : f32
      %jit3A_133 = arith.constant 2.230000e+02 : f32
      %max3A_134 = vector.broadcast %jit3A_132 : f32 to vector<16xf32>
      %max3A_135 = arith.maximumf %max3A_134, %add3A_131 : vector<16xf32>
      %min3A_136 = vector.broadcast %jit3A_133 : f32 to vector<16xf32>
      %min3A_137 = arith.minimumf %min3A_136, %max3A_135 : vector<16xf32>
      %mul3A_138 = arith.constant 5.000000e-01 : f32
      %mul3A_139 = vector.broadcast %mul3A_138 : f32 to vector<16xf32>
      %mul3A_140 = arith.mulf %mul3A_90, %mul3A_139 : vector<16xf32>
      %add3A_141 = arith.addf %add3A_85, %mul3A_140 : vector<16xf32>
      %jit3A_142 = arith.constant 0.000000e+00 : f32
      %jit3A_143 = arith.constant 2.230000e+02 : f32
      %max3A_144 = vector.broadcast %jit3A_142 : f32 to vector<16xf32>
      %max3A_145 = arith.maximumf %max3A_144, %add3A_141 : vector<16xf32>
      %min3A_146 = vector.broadcast %jit3A_143 : f32 to vector<16xf32>
      %min3A_147 = arith.minimumf %min3A_146, %max3A_145 : vector<16xf32>
      %swap3A = arith.index_cast %mul3A_34 : i32 to index
      %swap3A_148 = tpu.vector_load %arg6[%swap3A] {strides = array<i32>} : memref<1280xf32, #tpu.memory_space<vmem>>, vector<16xf32>,
      tpu.vector_store %arg6[%swap3A], %min3A_97 {strides = array<i32>} : memref<1280xf32, #tpu.memory_space<vmem>>, vector<16xf32>,
      %swap3A_149 = arith.index_cast %mul3A_34 : i32 to index
      %swap3A_150 = tpu.vector_load %arg7[%swap3A_149] {strides = array<i32>} : memref<1280xf32, #tpu.memory_space<vmem>>, vector<16xf32>,
      tpu.vector_store %arg7[%swap3A_149], %min3A_107 {strides = array<i32>} : memref<1280xf32, #tpu.memory_space<vmem>>, vector<16xf32>,
      %swap3A_151 = arith.index_cast %mul3A_34 : i32 to index
      %swap3A_152 = tpu.vector_load %arg8[%swap3A_151] {strides = array<i32>} : memref<1280xf32, #tpu.memory_space<vmem>>, vector<16xf32>,
      tpu.vector_store %arg8[%swap3A_151], %min3A_117 {strides = array<i32>} : memref<1280xf32, #tpu.memory_space<vmem>>, vector<16xf32>,
      %swap3A_153 = arith.index_cast %mul3A_34 : i32 to index
      %swap3A_154 = tpu.vector_load %arg9[%swap3A_153] {strides = array<i32>} : memref<1280xf32, #tpu.memory_space<vmem>>, vector<16xf32>,
      tpu.vector_store %arg9[%swap3A_153], %min3A_127 {strides = array<i32>} : memref<1280xf32, #tpu.memory_space<vmem>>, vector<16xf32>,
      %swap3A_155 = arith.index_cast %mul3A_34 : i32 to index
      %swap3A_156 = tpu.vector_load %arg10[%swap3A_155] {strides = array<i32>} : memref<1280xf32, #tpu.memory_space<vmem>>, vector<16xf32>,
      tpu.vector_store %arg10[%swap3A_155], %min3A_137 {strides = array<i32>} : memref<1280xf32, #tpu.memory_space<vmem>>, vector<16xf32>,
      %swap3A_157 = arith.index_cast %mul3A_34 : i32 to index
      %swap3A_158 = tpu.vector_load %arg11[%swap3A_157] {strides = array<i32>} : memref<1280xf32, #tpu.memory_space<vmem>>, vector<16xf32>,
      tpu.vector_store %arg11[%swap3A_157], %min3A_147 {strides = array<i32>} : memref<1280xf32, #tpu.memory_space<vmem>>, vector<16xf32>,
      %sub3A_159 = arith.subf %min3A_127, %min3A_97 : vector<16xf32>
      %add3A_160 = arith.constant 1.000000e+00 : f32
      %add3A_161 = vector.broadcast %add3A_160 : f32 to vector<16xf32>
      %add3A_162 = arith.addf %sub3A_159, %add3A_161 : vector<16xf32>
      %sub3A_163 = arith.subf %min3A_137, %min3A_107 : vector<16xf32>
      %add3A_164 = arith.constant 1.000000e+00 : f32
      %add3A_165 = vector.broadcast %add3A_164 : f32 to vector<16xf32>
      %add3A_166 = arith.addf %sub3A_163, %add3A_165 : vector<16xf32>
      %mul3A_167 = arith.mulf %add3A_162, %add3A_166 : vector<16xf32>
      %sub3A_168 = arith.subf %min3A_147, %min3A_117 : vector<16xf32>
      %add3A_169 = arith.constant 1.000000e+00 : f32
      %add3A_170 = vector.broadcast %add3A_169 : f32 to vector<16xf32>
      %add3A_171 = arith.addf %sub3A_168, %add3A_170 : vector<16xf32>
      %mul3A_172 = arith.mulf %mul3A_167, %add3A_171 : vector<16xf32>
      %swap3A_173 = arith.index_cast %mul3A_34 : i32 to index
      %swap3A_174 = tpu.vector_load %arg18[%swap3A_173] {strides = array<i32>} : memref<1280xf32, #tpu.memory_space<vmem>>, vector<16xf32>,
      tpu.vector_store %arg18[%swap3A_173], %mul3A_172 {strides = array<i32>} : memref<1280xf32, #tpu.memory_space<vmem>>, vector<16xf32>,
      %get3A_175 = arith.index_cast %mul3A_34 : i32 to index
      %get3A_176 = tpu.vector_load %arg19[%get3A_175] {strides = array<i32>} : memref<1280xf32, #tpu.memory_space<vmem>>, vector<16xf32>,
      %mul3A_177 = arith.constant 16 : i32
      %mul3A_178 = arith.muli %scan3A_30, %mul3A_177 : i32
      %convert_element_type3A_179 = arith.sitofp %mul3A_178 : i32 to f32
      %add3A_180 = arith.addf %convert_element_type3A, %convert_element_type3A_179 : f32
      %broadcast_in_dim3A_181 = vector.broadcast %add3A_180 : f32 to vector<16xf32>
      %add3A_182 = arith.addf %broadcast_in_dim3A_181, %convert_element_type3A_12 : vector<16xf32>
      %gt3A = arith.cmpf ogt, %get3A_176, %scan3A_31 : vector<16xf32>
      %select_n3A = arith.select %gt3A, %get3A_176, %scan3A_31 : vector<16xi1>, vector<16xf32>
      %select_n3A_183 = arith.select %gt3A, %add3A_182, %scan3A_32 : vector<16xi1>, vector<16xf32>
      scf.yield %select_n3A, %select_n3A_183 : vector<16xf32>, vector<16xf32>
    }
    %scan3A_20 = arith.constant 80 : i32
    %scan3A_21 = arith.constant 0 : i32
    %scan3A_22 = arith.constant 128 : i32
    %scan3A_23 = arith.addi %scan3A_21, %scan3A_22 : i32
    %scan3A_24 = arith.constant 1 : i32
    %scan3A_25:2 = scf.for %scan3A_30 = %scan3A_21 to %scan3A_23 step %scan3A_24 iter_args(%scan3A_31 = %scan3A_19#0, %scan3A_32 = %scan3A_19#1) -> (vector<16xf32>, vector<16xf32>)  : i32 {
      %reduce_max3A = arith.constant true
      %reduce_max3A_33 = vector.broadcast %reduce_max3A : i1 to vector<16xi1>
      %reduce_max3A_34 = tpu.scan <max>, %scan3A_31 masked %reduce_max3A_33 : vector<16xf32>, vector<16xi1> -> vector<16xf32>
      %reduce_max3A_35 = vector.extract %reduce_max3A_34[15] : f32 from vector<16xf32>
      %eq3A_36 = vector.broadcast %reduce_max3A_35 : f32 to vector<16xf32>
      %eq3A_37 = arith.cmpf oeq, %scan3A_31, %eq3A_36 : vector<16xf32>
      %jit3A = arith.constant 1.000000e+09 : f32
      %broadcast_in_dim3A_38 = vector.broadcast %jit3A : f32 to vector<16xf32>
      %select_n3A = arith.select %eq3A_37, %scan3A_32, %broadcast_in_dim3A_38 : vector<16xi1>, vector<16xf32>
      %reduce_min3A = arith.constant true
      %reduce_min3A_39 = vector.broadcast %reduce_min3A : i1 to vector<16xi1>
      %reduce_min3A_40 = tpu.scan <min>, %select_n3A masked %reduce_min3A_39 : vector<16xf32>, vector<16xi1> -> vector<16xf32>
      %reduce_min3A_41 = vector.extract %reduce_min3A_40[15] : f32 from vector<16xf32>
      %gt3A = arith.constant -1.000000e+30 : f32
      %gt3A_42 = arith.cmpf ogt, %reduce_max3A_35, %gt3A : f32
      %sub3A = arith.subf %reduce_min3A_41, %convert_element_type3A : f32
      %jit3A_43 = arith.constant 0.000000e+00 : f32
      %select_n3A_44 = arith.select %gt3A_42, %sub3A, %jit3A_43 : f32
      %convert_element_type3A_45 = arith.fptosi %select_n3A_44 : f32 to i32
      %broadcast_in_dim3A_46 = vector.broadcast %convert_element_type3A_45 : i32 to vector<16xi32>
      %broadcast_in_dim3A_47 = arith.constant 0.000000e+00 : f32
      %broadcast_in_dim3A_48 = vector.broadcast %broadcast_in_dim3A_47 : f32 to vector<16xf32>
      %eq3A_49 = arith.constant 0 : i32
      %eq3A_50 = vector.broadcast %eq3A_49 : i32 to vector<16xi32>
      %eq3A_51 = arith.cmpi eq, %iota3A, %eq3A_50 : vector<16xi32>
      %gather3A = tpu.vector_load_idx %arg6[%broadcast_in_dim3A_46] : memref<1280xf32, #tpu.memory_space<vmem>>[vector<16xi32>], vector<16xf32>,
      %select_n3A_52 = arith.select %eq3A_51, %gather3A, %broadcast_in_dim3A_48 : vector<16xi1>, vector<16xf32>
      %eq3A_53 = arith.constant 1 : i32
      %eq3A_54 = vector.broadcast %eq3A_53 : i32 to vector<16xi32>
      %eq3A_55 = arith.cmpi eq, %iota3A, %eq3A_54 : vector<16xi32>
      %gather3A_56 = tpu.vector_load_idx %arg7[%broadcast_in_dim3A_46] : memref<1280xf32, #tpu.memory_space<vmem>>[vector<16xi32>], vector<16xf32>,
      %select_n3A_57 = arith.select %eq3A_55, %gather3A_56, %select_n3A_52 : vector<16xi1>, vector<16xf32>
      %eq3A_58 = arith.constant 2 : i32
      %eq3A_59 = vector.broadcast %eq3A_58 : i32 to vector<16xi32>
      %eq3A_60 = arith.cmpi eq, %iota3A, %eq3A_59 : vector<16xi32>
      %gather3A_61 = tpu.vector_load_idx %arg8[%broadcast_in_dim3A_46] : memref<1280xf32, #tpu.memory_space<vmem>>[vector<16xi32>], vector<16xf32>,
      %select_n3A_62 = arith.select %eq3A_60, %gather3A_61, %select_n3A_57 : vector<16xi1>, vector<16xf32>
      %eq3A_63 = arith.constant 3 : i32
      %eq3A_64 = vector.broadcast %eq3A_63 : i32 to vector<16xi32>
      %eq3A_65 = arith.cmpi eq, %iota3A, %eq3A_64 : vector<16xi32>
      %gather3A_66 = tpu.vector_load_idx %arg9[%broadcast_in_dim3A_46] : memref<1280xf32, #tpu.memory_space<vmem>>[vector<16xi32>], vector<16xf32>,
      %select_n3A_67 = arith.select %eq3A_65, %gather3A_66, %select_n3A_62 : vector<16xi1>, vector<16xf32>
      %eq3A_68 = arith.constant 4 : i32
      %eq3A_69 = vector.broadcast %eq3A_68 : i32 to vector<16xi32>
      %eq3A_70 = arith.cmpi eq, %iota3A, %eq3A_69 : vector<16xi32>
      %gather3A_71 = tpu.vector_load_idx %arg10[%broadcast_in_dim3A_46] : memref<1280xf32, #tpu.memory_space<vmem>>[vector<16xi32>], vector<16xf32>,
      %select_n3A_72 = arith.select %eq3A_70, %gather3A_71, %select_n3A_67 : vector<16xi1>, vector<16xf32>
      %eq3A_73 = arith.constant 5 : i32
      %eq3A_74 = vector.broadcast %eq3A_73 : i32 to vector<16xi32>
      %eq3A_75 = arith.cmpi eq, %iota3A, %eq3A_74 : vector<16xi32>
      %gather3A_76 = tpu.vector_load_idx %arg11[%broadcast_in_dim3A_46] : memref<1280xf32, #tpu.memory_space<vmem>>[vector<16xi32>], vector<16xf32>,
      %select_n3A_77 = arith.select %eq3A_75, %gather3A_76, %select_n3A_72 : vector<16xi1>, vector<16xf32>
      %eq3A_78 = arith.constant 6 : i32
      %eq3A_79 = vector.broadcast %eq3A_78 : i32 to vector<16xi32>
      %eq3A_80 = arith.cmpi eq, %iota3A, %eq3A_79 : vector<16xi32>
      %broadcast_in_dim3A_81 = vector.broadcast %reduce_max3A_35 : f32 to vector<16xf32>
      %select_n3A_82 = arith.select %eq3A_80, %broadcast_in_dim3A_81, %select_n3A_77 : vector<16xi1>, vector<16xf32>
      %eq3A_83 = arith.constant 7 : i32
      %eq3A_84 = vector.broadcast %eq3A_83 : i32 to vector<16xi32>
      %eq3A_85 = arith.cmpi eq, %iota3A, %eq3A_84 : vector<16xi32>
      %broadcast_in_dim3A_86 = vector.broadcast %reduce_min3A_41 : f32 to vector<16xf32>
      %select_n3A_87 = arith.select %eq3A_85, %broadcast_in_dim3A_86, %select_n3A_82 : vector<16xi1>, vector<16xf32>
      %swap3A = arith.constant 0 : index
      %swap3A_88 = tpu.vector_load %arg20[%swap3A] {strides = array<i32>} : memref<16xf32, #tpu.memory_space<vmem>>, vector<16xf32>,
      tpu.vector_store %arg20[%swap3A], %select_n3A_87 {strides = array<i32>} : memref<16xf32, #tpu.memory_space<vmem>>, vector<16xf32>,
      %jit3A_89 = arith.constant 2 : i32
      %eq3A_90 = arith.constant 0 : i32
      %eq3A_91 = arith.cmpi eq, %jit3A_89, %eq3A_90 : i32
      %jit3A_92 = arith.constant 1 : i32
      %select_n3A_93 = arith.select %eq3A_91, %jit3A_92, %jit3A_89 : i32
      %rem3A = arith.remsi %scan3A_30, %select_n3A_93 : i32
      %ne3A = arith.constant 0 : i32
      %ne3A_94 = arith.cmpi ne, %rem3A, %ne3A : i32
      %lt3A = arith.constant 0 : i32
      %lt3A_95 = arith.cmpi slt, %rem3A, %lt3A : i32
      %lt3A_96 = arith.constant 0 : i32
      %lt3A_97 = arith.cmpi slt, %select_n3A_93, %lt3A_96 : i32
      %ne3A_98 = arith.xori %lt3A_95, %lt3A_97 : i1
      %and3A = arith.andi %ne3A_98, %ne3A_94 : i1
      %add3A = arith.addi %rem3A, %select_n3A_93 : i32
      %select_n3A_99 = arith.select %and3A, %add3A, %rem3A : i32
      %mul3A_100 = arith.constant 128 : i32
      %mul3A_101 = arith.muli %select_n3A_99, %mul3A_100 : i32
      %mul3A_102 = arith.constant 8 : i32
      %mul3A_103 = arith.muli %arg1, %mul3A_102 : i32
      %add3A_104 = arith.addi %mul3A_101, %mul3A_103 : i32
      "tpu.region"() ({
        %run_scoped3A_203 = tpu.sem_alloc : memref<!tpu.dma_semaphore, #tpu.memory_space<semaphore_mem>>
        %dma_start3A = arith.constant 0 : i32
        %dma_start3A_204 = tpu.memref_slice %arg20[%dma_start3A] : memref<16xf32, #tpu.memory_space<vmem>> -> memref<8xf32, #tpu.memory_space<vmem>>
        %dma_start3A_205 = tpu.memref_slice %arg23[%add3A_104] : memref<256xf32, #tpu.memory_space<vmem_shared>> -> memref<8xf32, #tpu.memory_space<vmem_shared>>
        %dma_start3A_206 = tpu.memref_slice %arg23[%add3A_104] : memref<256xf32, #tpu.memory_space<vmem_shared>> -> memref<8xf32, #tpu.memory_space<vmem_shared>>
        %dma_start3A_207 = arith.constant 0 : i32
        %dma_start3A_208 = tpu.memref_slice %arg20[%dma_start3A_207] : memref<16xf32, #tpu.memory_space<vmem>> -> memref<8xf32, #tpu.memory_space<vmem>>
        tpu.enqueue_dma source(%dma_start3A_208 : memref<8xf32, #tpu.memory_space<vmem>>) target(%dma_start3A_206 : memref<8xf32, #tpu.memory_space<vmem_shared>>) target_semaphore(%run_scoped3A_203 : memref<!tpu.dma_semaphore, #tpu.memory_space<semaphore_mem>>)
        %dma_wait3A = arith.constant 0 : i32
        %dma_wait3A_209 = tpu.memref_slice %arg20[%dma_wait3A] : memref<16xf32, #tpu.memory_space<vmem>> -> memref<8xf32, #tpu.memory_space<vmem>>
        %dma_wait3A_210 = tpu.memref_slice %arg23[%add3A_104] : memref<256xf32, #tpu.memory_space<vmem_shared>> -> memref<8xf32, #tpu.memory_space<vmem_shared>>
        %dma_wait3A_211 = tpu.memref_slice %arg23[%add3A_104] : memref<256xf32, #tpu.memory_space<vmem_shared>> -> memref<8xf32, #tpu.memory_space<vmem_shared>>
        %dma_wait3A_212 = arith.constant 0 : i32
        %dma_wait3A_213 = tpu.memref_slice %arg20[%dma_wait3A_212] : memref<16xf32, #tpu.memory_space<vmem>> -> memref<8xf32, #tpu.memory_space<vmem>>
        tpu.wait_dma2 semaphore(%run_scoped3A_203 : memref<!tpu.dma_semaphore, #tpu.memory_space<semaphore_mem>>) src(%dma_wait3A_213 : memref<8xf32, #tpu.memory_space<vmem>>) dst(%dma_wait3A_211 : memref<8xf32, #tpu.memory_space<vmem_shared>>)
        tpu.yield
      }) : () -> ()
      %barrier3A = arith.constant 0 : index
      tpu.barrier barrier_id(%barrier3A)
      "tpu.region"() ({
        %run_scoped3A_203 = tpu.sem_alloc : memref<!tpu.dma_semaphore, #tpu.memory_space<semaphore_mem>>
        %dma_start3A = tpu.memref_slice %arg23[%mul3A_101] : memref<256xf32, #tpu.memory_space<vmem_shared>> -> memref<128xf32, #tpu.memory_space<vmem_shared>>
        %dma_start3A_204 = tpu.memref_slice %arg23[%mul3A_101] : memref<256xf32, #tpu.memory_space<vmem_shared>> -> memref<128xf32, #tpu.memory_space<vmem_shared>>
        tpu.enqueue_dma source(%dma_start3A_204 : memref<128xf32, #tpu.memory_space<vmem_shared>>) target(%arg21 : memref<128xf32, #tpu.memory_space<vmem>>) target_semaphore(%run_scoped3A_203 : memref<!tpu.dma_semaphore, #tpu.memory_space<semaphore_mem>>)
        %dma_wait3A = tpu.memref_slice %arg23[%mul3A_101] : memref<256xf32, #tpu.memory_space<vmem_shared>> -> memref<128xf32, #tpu.memory_space<vmem_shared>>
        %dma_wait3A_205 = tpu.memref_slice %arg23[%mul3A_101] : memref<256xf32, #tpu.memory_space<vmem_shared>> -> memref<128xf32, #tpu.memory_space<vmem_shared>>
        tpu.wait_dma2 semaphore(%run_scoped3A_203 : memref<!tpu.dma_semaphore, #tpu.memory_space<semaphore_mem>>) src(%dma_wait3A_205 : memref<128xf32, #tpu.memory_space<vmem_shared>>) dst(%arg21 : memref<128xf32, #tpu.memory_space<vmem>>)
        tpu.yield
      }) : () -> ()
      %mul3A_105 = arith.constant 8 : i32
      %mul3A_106 = vector.broadcast %mul3A_105 : i32 to vector<16xi32>
      %mul3A_107 = arith.muli %iota3A, %mul3A_106 : vector<16xi32>
      %add3A_108 = arith.constant 6 : i32
      %add3A_109 = vector.broadcast %add3A_108 : i32 to vector<16xi32>
      %add3A_110 = arith.addi %mul3A_107, %add3A_109 : vector<16xi32>
      %gather3A_111 = tpu.vector_load_idx %arg21[%add3A_110] : memref<128xf32, #tpu.memory_space<vmem>>[vector<16xi32>], vector<16xf32>,
      %mul3A_112 = arith.constant 8 : i32
      %mul3A_113 = vector.broadcast %mul3A_112 : i32 to vector<16xi32>
      %mul3A_114 = arith.muli %iota3A, %mul3A_113 : vector<16xi32>
      %add3A_115 = arith.constant 7 : i32
      %add3A_116 = vector.broadcast %add3A_115 : i32 to vector<16xi32>
      %add3A_117 = arith.addi %mul3A_114, %add3A_116 : vector<16xi32>
      %gather3A_118 = tpu.vector_load_idx %arg21[%add3A_117] : memref<128xf32, #tpu.memory_space<vmem>>[vector<16xi32>], vector<16xf32>,
      %reduce_max3A_119 = arith.constant true
      %reduce_max3A_120 = vector.broadcast %reduce_max3A_119 : i1 to vector<16xi1>
      %reduce_max3A_121 = tpu.scan <max>, %gather3A_111 masked %reduce_max3A_120 : vector<16xf32>, vector<16xi1> -> vector<16xf32>
      %reduce_max3A_122 = vector.extract %reduce_max3A_121[15] : f32 from vector<16xf32>
      %eq3A_123 = vector.broadcast %reduce_max3A_122 : f32 to vector<16xf32>
      %eq3A_124 = arith.cmpf oeq, %gather3A_111, %eq3A_123 : vector<16xf32>
      %jit3A_125 = arith.constant 1.000000e+09 : f32
      %broadcast_in_dim3A_126 = vector.broadcast %jit3A_125 : f32 to vector<16xf32>
      %select_n3A_127 = arith.select %eq3A_124, %gather3A_118, %broadcast_in_dim3A_126 : vector<16xi1>, vector<16xf32>
      %reduce_min3A_128 = arith.constant true
      %reduce_min3A_129 = vector.broadcast %reduce_min3A_128 : i1 to vector<16xi1>
      %reduce_min3A_130 = tpu.scan <min>, %select_n3A_127 masked %reduce_min3A_129 : vector<16xf32>, vector<16xi1> -> vector<16xf32>
      %reduce_min3A_131 = vector.extract %reduce_min3A_130[15] : f32 from vector<16xf32>
      %gt3A_132 = arith.constant -1.000000e+30 : f32
      %gt3A_133 = arith.cmpf ogt, %reduce_max3A_122, %gt3A_132 : f32
      %eq3A_134 = vector.broadcast %reduce_min3A_131 : f32 to vector<16xf32>
      %eq3A_135 = arith.cmpf oeq, %gather3A_118, %eq3A_134 : vector<16xf32>
      %and3A_136 = arith.andi %eq3A_124, %eq3A_135 : vector<16xi1>
      %all_reduce_ffs3A = tpu.all_reduce %and3A_136 {dim = 0 : i64, kind = #tpu.reduction_kind<find_first_set>} : vector<16xi1> -> vector<16xi32>
      %mul3A_137 = arith.constant 8 : i32
      %mul3A_138 = vector.broadcast %mul3A_137 : i32 to vector<16xi32>
      %mul3A_139 = arith.muli %all_reduce_ffs3A, %mul3A_138 : vector<16xi32>
      %min3A = arith.constant 7 : i32
      %min3A_140 = vector.broadcast %min3A : i32 to vector<16xi32>
      %min3A_141 = arith.minsi %iota3A, %min3A_140 : vector<16xi32>
      %add3A_142 = arith.addi %mul3A_139, %min3A_141 : vector<16xi32>
      %gather3A_143 = tpu.vector_load_idx %arg21[%add3A_142] : memref<128xf32, #tpu.memory_space<vmem>>[vector<16xi32>], vector<16xf32>,
      %broadcast_in_dim3A_144 = vector.broadcast %gt3A_133 : i1 to vector<16xi1>
      %lt3A_145 = arith.constant 7 : i32
      %lt3A_146 = vector.broadcast %lt3A_145 : i32 to vector<16xi32>
      %lt3A_147 = arith.cmpi slt, %iota3A, %lt3A_146 : vector<16xi32>
      %and3A_148 = arith.andi %lt3A_147, %broadcast_in_dim3A_144 : vector<16xi1>
      %jit3A_149 = arith.constant 0.000000e+00 : f32
      %broadcast_in_dim3A_150 = vector.broadcast %jit3A_149 : f32 to vector<16xf32>
      %select_n3A_151 = arith.select %and3A_148, %gather3A_143, %broadcast_in_dim3A_150 : vector<16xi1>, vector<16xf32>
      %mul3A_152 = arith.constant 16 : i32
      %mul3A_153 = arith.muli %scan3A_30, %mul3A_152 : i32
      %swap3A_154 = arith.index_cast %mul3A_153 : i32 to index
      %swap3A_155 = tpu.vector_load %arg22[%swap3A_154] {strides = array<i32>} : memref<2048xf32, #tpu.memory_space<vmem>>, vector<16xf32>,
      tpu.vector_store %arg22[%swap3A_154], %select_n3A_151 {strides = array<i32>} : memref<2048xf32, #tpu.memory_space<vmem>>, vector<16xf32>,
      %add3A_156 = arith.constant 0 : i32
      %add3A_157 = vector.broadcast %add3A_156 : i32 to vector<16xi32>
      %add3A_158 = arith.addi %mul3A_139, %add3A_157 : vector<16xi32>
      %gather3A_159 = tpu.vector_load_idx %arg21[%add3A_158] : memref<128xf32, #tpu.memory_space<vmem>>[vector<16xi32>], vector<16xf32>,
      %jit3A_160 = arith.constant 0x7F800000 : f32
      %broadcast_in_dim3A_161 = vector.broadcast %jit3A_160 : f32 to vector<16xf32>
      %select_n3A_162 = arith.select %broadcast_in_dim3A_144, %gather3A_159, %broadcast_in_dim3A_161 : vector<16xi1>, vector<16xf32>
      %add3A_163 = arith.constant 1 : i32
      %add3A_164 = vector.broadcast %add3A_163 : i32 to vector<16xi32>
      %add3A_165 = arith.addi %mul3A_139, %add3A_164 : vector<16xi32>
      %gather3A_166 = tpu.vector_load_idx %arg21[%add3A_165] : memref<128xf32, #tpu.memory_space<vmem>>[vector<16xi32>], vector<16xf32>,
      %add3A_167 = arith.constant 2 : i32
      %add3A_168 = vector.broadcast %add3A_167 : i32 to vector<16xi32>
      %add3A_169 = arith.addi %mul3A_139, %add3A_168 : vector<16xi32>
      %gather3A_170 = tpu.vector_load_idx %arg21[%add3A_169] : memref<128xf32, #tpu.memory_space<vmem>>[vector<16xi32>], vector<16xf32>,
      %add3A_171 = arith.constant 3 : i32
      %add3A_172 = vector.broadcast %add3A_171 : i32 to vector<16xi32>
      %add3A_173 = arith.addi %mul3A_139, %add3A_172 : vector<16xi32>
      %gather3A_174 = tpu.vector_load_idx %arg21[%add3A_173] : memref<128xf32, #tpu.memory_space<vmem>>[vector<16xi32>], vector<16xf32>,
      %add3A_175 = arith.constant 4 : i32
      %add3A_176 = vector.broadcast %add3A_175 : i32 to vector<16xi32>
      %add3A_177 = arith.addi %mul3A_139, %add3A_176 : vector<16xi32>
      %gather3A_178 = tpu.vector_load_idx %arg21[%add3A_177] : memref<128xf32, #tpu.memory_space<vmem>>[vector<16xi32>], vector<16xf32>,
      %add3A_179 = arith.constant 5 : i32
      %add3A_180 = vector.broadcast %add3A_179 : i32 to vector<16xi32>
      %add3A_181 = arith.addi %mul3A_139, %add3A_180 : vector<16xi32>
      %gather3A_182 = tpu.vector_load_idx %arg21[%add3A_181] : memref<128xf32, #tpu.memory_space<vmem>>[vector<16xi32>], vector<16xf32>,
      %sub3A_183 = arith.subf %gather3A_174, %select_n3A_162 : vector<16xf32>
      %add3A_184 = arith.constant 1.000000e+00 : f32
      %add3A_185 = vector.broadcast %add3A_184 : f32 to vector<16xf32>
      %add3A_186 = arith.addf %sub3A_183, %add3A_185 : vector<16xf32>
      %sub3A_187 = arith.subf %gather3A_178, %gather3A_166 : vector<16xf32>
      %add3A_188 = arith.constant 1.000000e+00 : f32
      %add3A_189 = vector.broadcast %add3A_188 : f32 to vector<16xf32>
      %add3A_190 = arith.addf %sub3A_187, %add3A_189 : vector<16xf32>
      %mul3A_191 = arith.mulf %add3A_186, %add3A_190 : vector<16xf32>
      %sub3A_192 = arith.subf %gather3A_182, %gather3A_170 : vector<16xf32>
      %add3A_193 = arith.constant 1.000000e+00 : f32
      %add3A_194 = vector.broadcast %add3A_193 : f32 to vector<16xf32>
      %add3A_195 = arith.addf %sub3A_192, %add3A_194 : vector<16xf32>
      %mul3A_196 = arith.mulf %mul3A_191, %add3A_195 : vector<16xf32>
      %scan3A_197 = arith.constant 0 : i32
      %scan3A_198 = arith.constant 20 : i32
      %scan3A_199 = arith.addi %scan3A_197, %scan3A_198 : i32
      %scan3A_200 = arith.constant 1 : i32
      %scan3A_201:2 = scf.for %scan3A_203 = %scan3A_197 to %scan3A_199 step %scan3A_200 iter_args(%scan3A_204 = %broadcast_in_dim3A_13, %scan3A_205 = %broadcast_in_dim3A_15) -> (vector<16xf32>, vector<16xf32>)  : i32 {
        %mul3A_206 = arith.constant 4 : i32
        %mul3A_207 = arith.muli %scan3A_203, %mul3A_206 : i32
        %add3A_208 = arith.constant 0 : i32
        %add3A_209 = arith.addi %mul3A_207, %add3A_208 : i32
        %mul3A_210 = arith.constant 16 : i32
        %mul3A_211 = arith.muli %add3A_209, %mul3A_210 : i32
        %get3A = arith.index_cast %mul3A_211 : i32 to index
        %get3A_212 = tpu.vector_load %arg6[%get3A] {strides = array<i32>} : memref<1280xf32, #tpu.memory_space<vmem>>, vector<16xf32>,
        %get3A_213 = arith.index_cast %mul3A_211 : i32 to index
        %get3A_214 = tpu.vector_load %arg7[%get3A_213] {strides = array<i32>} : memref<1280xf32, #tpu.memory_space<vmem>>, vector<16xf32>,
        %get3A_215 = arith.index_cast %mul3A_211 : i32 to index
        %get3A_216 = tpu.vector_load %arg8[%get3A_215] {strides = array<i32>} : memref<1280xf32, #tpu.memory_space<vmem>>, vector<16xf32>,
        %get3A_217 = arith.index_cast %mul3A_211 : i32 to index
        %get3A_218 = tpu.vector_load %arg9[%get3A_217] {strides = array<i32>} : memref<1280xf32, #tpu.memory_space<vmem>>, vector<16xf32>,
        %get3A_219 = arith.index_cast %mul3A_211 : i32 to index
        %get3A_220 = tpu.vector_load %arg10[%get3A_219] {strides = array<i32>} : memref<1280xf32, #tpu.memory_space<vmem>>, vector<16xf32>,
        %get3A_221 = arith.index_cast %mul3A_211 : i32 to index
        %get3A_222 = tpu.vector_load %arg11[%get3A_221] {strides = array<i32>} : memref<1280xf32, #tpu.memory_space<vmem>>, vector<16xf32>,
        %get3A_223 = arith.index_cast %mul3A_211 : i32 to index
        %get3A_224 = tpu.vector_load %arg18[%get3A_223] {strides = array<i32>} : memref<1280xf32, #tpu.memory_space<vmem>>, vector<16xf32>,
        %get3A_225 = arith.index_cast %mul3A_211 : i32 to index
        %get3A_226 = tpu.vector_load %arg19[%get3A_225] {strides = array<i32>} : memref<1280xf32, #tpu.memory_space<vmem>>, vector<16xf32>,
        %max3A = arith.maximumf %select_n3A_162, %get3A_212 : vector<16xf32>
        %max3A_227 = arith.maximumf %gather3A_166, %get3A_214 : vector<16xf32>
        %max3A_228 = arith.maximumf %gather3A_170, %get3A_216 : vector<16xf32>
        %min3A_229 = arith.minimumf %gather3A_174, %get3A_218 : vector<16xf32>
        %min3A_230 = arith.minimumf %gather3A_178, %get3A_220 : vector<16xf32>
        %min3A_231 = arith.minimumf %gather3A_182, %get3A_222 : vector<16xf32>
        %sub3A_232 = arith.subf %min3A_229, %max3A : vector<16xf32>
        %add3A_233 = arith.constant 1.000000e+00 : f32
        %add3A_234 = vector.broadcast %add3A_233 : f32 to vector<16xf32>
        %add3A_235 = arith.addf %sub3A_232, %add3A_234 : vector<16xf32>
        %max3A_236 = arith.constant 0.000000e+00 : f32
        %max3A_237 = vector.broadcast %max3A_236 : f32 to vector<16xf32>
        %max3A_238 = arith.maximumf %add3A_235, %max3A_237 : vector<16xf32>
        %sub3A_239 = arith.subf %min3A_230, %max3A_227 : vector<16xf32>
        %add3A_240 = arith.constant 1.000000e+00 : f32
        %add3A_241 = vector.broadcast %add3A_240 : f32 to vector<16xf32>
        %add3A_242 = arith.addf %sub3A_239, %add3A_241 : vector<16xf32>
        %max3A_243 = arith.constant 0.000000e+00 : f32
        %max3A_244 = vector.broadcast %max3A_243 : f32 to vector<16xf32>
        %max3A_245 = arith.maximumf %add3A_242, %max3A_244 : vector<16xf32>
        %sub3A_246 = arith.subf %min3A_231, %max3A_228 : vector<16xf32>
        %add3A_247 = arith.constant 1.000000e+00 : f32
        %add3A_248 = vector.broadcast %add3A_247 : f32 to vector<16xf32>
        %add3A_249 = arith.addf %sub3A_246, %add3A_248 : vector<16xf32>
        %max3A_250 = arith.constant 0.000000e+00 : f32
        %max3A_251 = vector.broadcast %max3A_250 : f32 to vector<16xf32>
        %max3A_252 = arith.maximumf %add3A_249, %max3A_251 : vector<16xf32>
        %mul3A_253 = arith.mulf %max3A_238, %max3A_245 : vector<16xf32>
        %mul3A_254 = arith.mulf %mul3A_253, %max3A_252 : vector<16xf32>
        %add3A_255 = arith.addf %mul3A_196, %get3A_224 : vector<16xf32>
        %sub3A_256 = arith.subf %add3A_255, %mul3A_254 : vector<16xf32>
        %div3A = arith.divf %mul3A_254, %sub3A_256 : vector<16xf32>
        %ge3A = arith.constant 0.699999988 : f32
        %ge3A_257 = vector.broadcast %ge3A : f32 to vector<16xf32>
        %ge3A_258 = arith.cmpf oge, %div3A, %ge3A_257 : vector<16xf32>
        %jit3A_259 = arith.constant 0xFF800000 : f32
        %broadcast_in_dim3A_260 = vector.broadcast %jit3A_259 : f32 to vector<16xf32>
        %select_n3A_261 = arith.select %ge3A_258, %broadcast_in_dim3A_260, %get3A_226 : vector<16xi1>, vector<16xf32>
        %swap3A_262 = arith.index_cast %mul3A_211 : i32 to index
        %swap3A_263 = tpu.vector_load %arg19[%swap3A_262] {strides = array<i32>} : memref<1280xf32, #tpu.memory_space<vmem>>, vector<16xf32>,
        tpu.vector_store %arg19[%swap3A_262], %select_n3A_261 {strides = array<i32>} : memref<1280xf32, #tpu.memory_space<vmem>>, vector<16xf32>,
        %mul3A_264 = arith.constant 16 : i32
        %mul3A_265 = arith.muli %add3A_209, %mul3A_264 : i32
        %convert_element_type3A_266 = arith.sitofp %mul3A_265 : i32 to f32
        %add3A_267 = arith.addf %convert_element_type3A, %convert_element_type3A_266 : f32
        %broadcast_in_dim3A_268 = vector.broadcast %add3A_267 : f32 to vector<16xf32>
        %add3A_269 = arith.addf %broadcast_in_dim3A_268, %convert_element_type3A_12 : vector<16xf32>
        %gt3A_270 = arith.cmpf ogt, %select_n3A_261, %scan3A_204 : vector<16xf32>
        %select_n3A_271 = arith.select %gt3A_270, %select_n3A_261, %scan3A_204 : vector<16xi1>, vector<16xf32>
        %select_n3A_272 = arith.select %gt3A_270, %add3A_269, %scan3A_205 : vector<16xi1>, vector<16xf32>
        %mul3A_273 = arith.constant 4 : i32
        %mul3A_274 = arith.muli %scan3A_203, %mul3A_273 : i32
        %add3A_275 = arith.constant 1 : i32
        %add3A_276 = arith.addi %mul3A_274, %add3A_275 : i32
        %mul3A_277 = arith.constant 16 : i32
        %mul3A_278 = arith.muli %add3A_276, %mul3A_277 : i32
        %get3A_279 = arith.index_cast %mul3A_278 : i32 to index
        %get3A_280 = tpu.vector_load %arg6[%get3A_279] {strides = array<i32>} : memref<1280xf32, #tpu.memory_space<vmem>>, vector<16xf32>,
        %get3A_281 = arith.index_cast %mul3A_278 : i32 to index
        %get3A_282 = tpu.vector_load %arg7[%get3A_281] {strides = array<i32>} : memref<1280xf32, #tpu.memory_space<vmem>>, vector<16xf32>,
        %get3A_283 = arith.index_cast %mul3A_278 : i32 to index
        %get3A_284 = tpu.vector_load %arg8[%get3A_283] {strides = array<i32>} : memref<1280xf32, #tpu.memory_space<vmem>>, vector<16xf32>,
        %get3A_285 = arith.index_cast %mul3A_278 : i32 to index
        %get3A_286 = tpu.vector_load %arg9[%get3A_285] {strides = array<i32>} : memref<1280xf32, #tpu.memory_space<vmem>>, vector<16xf32>,
        %get3A_287 = arith.index_cast %mul3A_278 : i32 to index
        %get3A_288 = tpu.vector_load %arg10[%get3A_287] {strides = array<i32>} : memref<1280xf32, #tpu.memory_space<vmem>>, vector<16xf32>,
        %get3A_289 = arith.index_cast %mul3A_278 : i32 to index
        %get3A_290 = tpu.vector_load %arg11[%get3A_289] {strides = array<i32>} : memref<1280xf32, #tpu.memory_space<vmem>>, vector<16xf32>,
        %get3A_291 = arith.index_cast %mul3A_278 : i32 to index
        %get3A_292 = tpu.vector_load %arg18[%get3A_291] {strides = array<i32>} : memref<1280xf32, #tpu.memory_space<vmem>>, vector<16xf32>,
        %get3A_293 = arith.index_cast %mul3A_278 : i32 to index
        %get3A_294 = tpu.vector_load %arg19[%get3A_293] {strides = array<i32>} : memref<1280xf32, #tpu.memory_space<vmem>>, vector<16xf32>,
        %max3A_295 = arith.maximumf %select_n3A_162, %get3A_280 : vector<16xf32>
        %max3A_296 = arith.maximumf %gather3A_166, %get3A_282 : vector<16xf32>
        %max3A_297 = arith.maximumf %gather3A_170, %get3A_284 : vector<16xf32>
        %min3A_298 = arith.minimumf %gather3A_174, %get3A_286 : vector<16xf32>
        %min3A_299 = arith.minimumf %gather3A_178, %get3A_288 : vector<16xf32>
        %min3A_300 = arith.minimumf %gather3A_182, %get3A_290 : vector<16xf32>
        %sub3A_301 = arith.subf %min3A_298, %max3A_295 : vector<16xf32>
        %add3A_302 = arith.constant 1.000000e+00 : f32
        %add3A_303 = vector.broadcast %add3A_302 : f32 to vector<16xf32>
        %add3A_304 = arith.addf %sub3A_301, %add3A_303 : vector<16xf32>
        %max3A_305 = arith.constant 0.000000e+00 : f32
        %max3A_306 = vector.broadcast %max3A_305 : f32 to vector<16xf32>
        %max3A_307 = arith.maximumf %add3A_304, %max3A_306 : vector<16xf32>
        %sub3A_308 = arith.subf %min3A_299, %max3A_296 : vector<16xf32>
        %add3A_309 = arith.constant 1.000000e+00 : f32
        %add3A_310 = vector.broadcast %add3A_309 : f32 to vector<16xf32>
        %add3A_311 = arith.addf %sub3A_308, %add3A_310 : vector<16xf32>
        %max3A_312 = arith.constant 0.000000e+00 : f32
        %max3A_313 = vector.broadcast %max3A_312 : f32 to vector<16xf32>
        %max3A_314 = arith.maximumf %add3A_311, %max3A_313 : vector<16xf32>
        %sub3A_315 = arith.subf %min3A_300, %max3A_297 : vector<16xf32>
        %add3A_316 = arith.constant 1.000000e+00 : f32
        %add3A_317 = vector.broadcast %add3A_316 : f32 to vector<16xf32>
        %add3A_318 = arith.addf %sub3A_315, %add3A_317 : vector<16xf32>
        %max3A_319 = arith.constant 0.000000e+00 : f32
        %max3A_320 = vector.broadcast %max3A_319 : f32 to vector<16xf32>
        %max3A_321 = arith.maximumf %add3A_318, %max3A_320 : vector<16xf32>
        %mul3A_322 = arith.mulf %max3A_307, %max3A_314 : vector<16xf32>
        %mul3A_323 = arith.mulf %mul3A_322, %max3A_321 : vector<16xf32>
        %add3A_324 = arith.addf %mul3A_196, %get3A_292 : vector<16xf32>
        %sub3A_325 = arith.subf %add3A_324, %mul3A_323 : vector<16xf32>
        %div3A_326 = arith.divf %mul3A_323, %sub3A_325 : vector<16xf32>
        %ge3A_327 = arith.constant 0.699999988 : f32
        %ge3A_328 = vector.broadcast %ge3A_327 : f32 to vector<16xf32>
        %ge3A_329 = arith.cmpf oge, %div3A_326, %ge3A_328 : vector<16xf32>
        %jit3A_330 = arith.constant 0xFF800000 : f32
        %broadcast_in_dim3A_331 = vector.broadcast %jit3A_330 : f32 to vector<16xf32>
        %select_n3A_332 = arith.select %ge3A_329, %broadcast_in_dim3A_331, %get3A_294 : vector<16xi1>, vector<16xf32>
        %swap3A_333 = arith.index_cast %mul3A_278 : i32 to index
        %swap3A_334 = tpu.vector_load %arg19[%swap3A_333] {strides = array<i32>} : memref<1280xf32, #tpu.memory_space<vmem>>, vector<16xf32>,
        tpu.vector_store %arg19[%swap3A_333], %select_n3A_332 {strides = array<i32>} : memref<1280xf32, #tpu.memory_space<vmem>>, vector<16xf32>,
        %mul3A_335 = arith.constant 16 : i32
        %mul3A_336 = arith.muli %add3A_276, %mul3A_335 : i32
        %convert_element_type3A_337 = arith.sitofp %mul3A_336 : i32 to f32
        %add3A_338 = arith.addf %convert_element_type3A, %convert_element_type3A_337 : f32
        %broadcast_in_dim3A_339 = vector.broadcast %add3A_338 : f32 to vector<16xf32>
        %add3A_340 = arith.addf %broadcast_in_dim3A_339, %convert_element_type3A_12 : vector<16xf32>
        %gt3A_341 = arith.cmpf ogt, %select_n3A_332, %select_n3A_271 : vector<16xf32>
        %select_n3A_342 = arith.select %gt3A_341, %select_n3A_332, %select_n3A_271 : vector<16xi1>, vector<16xf32>
        %select_n3A_343 = arith.select %gt3A_341, %add3A_340, %select_n3A_272 : vector<16xi1>, vector<16xf32>
        %mul3A_344 = arith.constant 4 : i32
        %mul3A_345 = arith.muli %scan3A_203, %mul3A_344 : i32
        %add3A_346 = arith.constant 2 : i32
        %add3A_347 = arith.addi %mul3A_345, %add3A_346 : i32
        %mul3A_348 = arith.constant 16 : i32
        %mul3A_349 = arith.muli %add3A_347, %mul3A_348 : i32
        %get3A_350 = arith.index_cast %mul3A_349 : i32 to index
        %get3A_351 = tpu.vector_load %arg6[%get3A_350] {strides = array<i32>} : memref<1280xf32, #tpu.memory_space<vmem>>, vector<16xf32>,
        %get3A_352 = arith.index_cast %mul3A_349 : i32 to index
        %get3A_353 = tpu.vector_load %arg7[%get3A_352] {strides = array<i32>} : memref<1280xf32, #tpu.memory_space<vmem>>, vector<16xf32>,
        %get3A_354 = arith.index_cast %mul3A_349 : i32 to index
        %get3A_355 = tpu.vector_load %arg8[%get3A_354] {strides = array<i32>} : memref<1280xf32, #tpu.memory_space<vmem>>, vector<16xf32>,
        %get3A_356 = arith.index_cast %mul3A_349 : i32 to index
        %get3A_357 = tpu.vector_load %arg9[%get3A_356] {strides = array<i32>} : memref<1280xf32, #tpu.memory_space<vmem>>, vector<16xf32>,
        %get3A_358 = arith.index_cast %mul3A_349 : i32 to index
        %get3A_359 = tpu.vector_load %arg10[%get3A_358] {strides = array<i32>} : memref<1280xf32, #tpu.memory_space<vmem>>, vector<16xf32>,
        %get3A_360 = arith.index_cast %mul3A_349 : i32 to index
        %get3A_361 = tpu.vector_load %arg11[%get3A_360] {strides = array<i32>} : memref<1280xf32, #tpu.memory_space<vmem>>, vector<16xf32>,
        %get3A_362 = arith.index_cast %mul3A_349 : i32 to index
        %get3A_363 = tpu.vector_load %arg18[%get3A_362] {strides = array<i32>} : memref<1280xf32, #tpu.memory_space<vmem>>, vector<16xf32>,
        %get3A_364 = arith.index_cast %mul3A_349 : i32 to index
        %get3A_365 = tpu.vector_load %arg19[%get3A_364] {strides = array<i32>} : memref<1280xf32, #tpu.memory_space<vmem>>, vector<16xf32>,
        %max3A_366 = arith.maximumf %select_n3A_162, %get3A_351 : vector<16xf32>
        %max3A_367 = arith.maximumf %gather3A_166, %get3A_353 : vector<16xf32>
        %max3A_368 = arith.maximumf %gather3A_170, %get3A_355 : vector<16xf32>
        %min3A_369 = arith.minimumf %gather3A_174, %get3A_357 : vector<16xf32>
        %min3A_370 = arith.minimumf %gather3A_178, %get3A_359 : vector<16xf32>
        %min3A_371 = arith.minimumf %gather3A_182, %get3A_361 : vector<16xf32>
        %sub3A_372 = arith.subf %min3A_369, %max3A_366 : vector<16xf32>
        %add3A_373 = arith.constant 1.000000e+00 : f32
        %add3A_374 = vector.broadcast %add3A_373 : f32 to vector<16xf32>
        %add3A_375 = arith.addf %sub3A_372, %add3A_374 : vector<16xf32>
        %max3A_376 = arith.constant 0.000000e+00 : f32
        %max3A_377 = vector.broadcast %max3A_376 : f32 to vector<16xf32>
        %max3A_378 = arith.maximumf %add3A_375, %max3A_377 : vector<16xf32>
        %sub3A_379 = arith.subf %min3A_370, %max3A_367 : vector<16xf32>
        %add3A_380 = arith.constant 1.000000e+00 : f32
        %add3A_381 = vector.broadcast %add3A_380 : f32 to vector<16xf32>
        %add3A_382 = arith.addf %sub3A_379, %add3A_381 : vector<16xf32>
        %max3A_383 = arith.constant 0.000000e+00 : f32
        %max3A_384 = vector.broadcast %max3A_383 : f32 to vector<16xf32>
        %max3A_385 = arith.maximumf %add3A_382, %max3A_384 : vector<16xf32>
        %sub3A_386 = arith.subf %min3A_371, %max3A_368 : vector<16xf32>
        %add3A_387 = arith.constant 1.000000e+00 : f32
        %add3A_388 = vector.broadcast %add3A_387 : f32 to vector<16xf32>
        %add3A_389 = arith.addf %sub3A_386, %add3A_388 : vector<16xf32>
        %max3A_390 = arith.constant 0.000000e+00 : f32
        %max3A_391 = vector.broadcast %max3A_390 : f32 to vector<16xf32>
        %max3A_392 = arith.maximumf %add3A_389, %max3A_391 : vector<16xf32>
        %mul3A_393 = arith.mulf %max3A_378, %max3A_385 : vector<16xf32>
        %mul3A_394 = arith.mulf %mul3A_393, %max3A_392 : vector<16xf32>
        %add3A_395 = arith.addf %mul3A_196, %get3A_363 : vector<16xf32>
        %sub3A_396 = arith.subf %add3A_395, %mul3A_394 : vector<16xf32>
        %div3A_397 = arith.divf %mul3A_394, %sub3A_396 : vector<16xf32>
        %ge3A_398 = arith.constant 0.699999988 : f32
        %ge3A_399 = vector.broadcast %ge3A_398 : f32 to vector<16xf32>
        %ge3A_400 = arith.cmpf oge, %div3A_397, %ge3A_399 : vector<16xf32>
        %jit3A_401 = arith.constant 0xFF800000 : f32
        %broadcast_in_dim3A_402 = vector.broadcast %jit3A_401 : f32 to vector<16xf32>
        %select_n3A_403 = arith.select %ge3A_400, %broadcast_in_dim3A_402, %get3A_365 : vector<16xi1>, vector<16xf32>
        %swap3A_404 = arith.index_cast %mul3A_349 : i32 to index
        %swap3A_405 = tpu.vector_load %arg19[%swap3A_404] {strides = array<i32>} : memref<1280xf32, #tpu.memory_space<vmem>>, vector<16xf32>,
        tpu.vector_store %arg19[%swap3A_404], %select_n3A_403 {strides = array<i32>} : memref<1280xf32, #tpu.memory_space<vmem>>, vector<16xf32>,
        %mul3A_406 = arith.constant 16 : i32
        %mul3A_407 = arith.muli %add3A_347, %mul3A_406 : i32
        %convert_element_type3A_408 = arith.sitofp %mul3A_407 : i32 to f32
        %add3A_409 = arith.addf %convert_element_type3A, %convert_element_type3A_408 : f32
        %broadcast_in_dim3A_410 = vector.broadcast %add3A_409 : f32 to vector<16xf32>
        %add3A_411 = arith.addf %broadcast_in_dim3A_410, %convert_element_type3A_12 : vector<16xf32>
        %gt3A_412 = arith.cmpf ogt, %select_n3A_403, %select_n3A_342 : vector<16xf32>
        %select_n3A_413 = arith.select %gt3A_412, %select_n3A_403, %select_n3A_342 : vector<16xi1>, vector<16xf32>
        %select_n3A_414 = arith.select %gt3A_412, %add3A_411, %select_n3A_343 : vector<16xi1>, vector<16xf32>
        %mul3A_415 = arith.constant 4 : i32
        %mul3A_416 = arith.muli %scan3A_203, %mul3A_415 : i32
        %add3A_417 = arith.constant 3 : i32
        %add3A_418 = arith.addi %mul3A_416, %add3A_417 : i32
        %mul3A_419 = arith.constant 16 : i32
        %mul3A_420 = arith.muli %add3A_418, %mul3A_419 : i32
        %get3A_421 = arith.index_cast %mul3A_420 : i32 to index
        %get3A_422 = tpu.vector_load %arg6[%get3A_421] {strides = array<i32>} : memref<1280xf32, #tpu.memory_space<vmem>>, vector<16xf32>,
        %get3A_423 = arith.index_cast %mul3A_420 : i32 to index
        %get3A_424 = tpu.vector_load %arg7[%get3A_423] {strides = array<i32>} : memref<1280xf32, #tpu.memory_space<vmem>>, vector<16xf32>,
        %get3A_425 = arith.index_cast %mul3A_420 : i32 to index
        %get3A_426 = tpu.vector_load %arg8[%get3A_425] {strides = array<i32>} : memref<1280xf32, #tpu.memory_space<vmem>>, vector<16xf32>,
        %get3A_427 = arith.index_cast %mul3A_420 : i32 to index
        %get3A_428 = tpu.vector_load %arg9[%get3A_427] {strides = array<i32>} : memref<1280xf32, #tpu.memory_space<vmem>>, vector<16xf32>,
        %get3A_429 = arith.index_cast %mul3A_420 : i32 to index
        %get3A_430 = tpu.vector_load %arg10[%get3A_429] {strides = array<i32>} : memref<1280xf32, #tpu.memory_space<vmem>>, vector<16xf32>,
        %get3A_431 = arith.index_cast %mul3A_420 : i32 to index
        %get3A_432 = tpu.vector_load %arg11[%get3A_431] {strides = array<i32>} : memref<1280xf32, #tpu.memory_space<vmem>>, vector<16xf32>,
        %get3A_433 = arith.index_cast %mul3A_420 : i32 to index
        %get3A_434 = tpu.vector_load %arg18[%get3A_433] {strides = array<i32>} : memref<1280xf32, #tpu.memory_space<vmem>>, vector<16xf32>,
        %get3A_435 = arith.index_cast %mul3A_420 : i32 to index
        %get3A_436 = tpu.vector_load %arg19[%get3A_435] {strides = array<i32>} : memref<1280xf32, #tpu.memory_space<vmem>>, vector<16xf32>,
        %max3A_437 = arith.maximumf %select_n3A_162, %get3A_422 : vector<16xf32>
        %max3A_438 = arith.maximumf %gather3A_166, %get3A_424 : vector<16xf32>
        %max3A_439 = arith.maximumf %gather3A_170, %get3A_426 : vector<16xf32>
        %min3A_440 = arith.minimumf %gather3A_174, %get3A_428 : vector<16xf32>
        %min3A_441 = arith.minimumf %gather3A_178, %get3A_430 : vector<16xf32>
        %min3A_442 = arith.minimumf %gather3A_182, %get3A_432 : vector<16xf32>
        %sub3A_443 = arith.subf %min3A_440, %max3A_437 : vector<16xf32>
        %add3A_444 = arith.constant 1.000000e+00 : f32
        %add3A_445 = vector.broadcast %add3A_444 : f32 to vector<16xf32>
        %add3A_446 = arith.addf %sub3A_443, %add3A_445 : vector<16xf32>
        %max3A_447 = arith.constant 0.000000e+00 : f32
        %max3A_448 = vector.broadcast %max3A_447 : f32 to vector<16xf32>
        %max3A_449 = arith.maximumf %add3A_446, %max3A_448 : vector<16xf32>
        %sub3A_450 = arith.subf %min3A_441, %max3A_438 : vector<16xf32>
        %add3A_451 = arith.constant 1.000000e+00 : f32
        %add3A_452 = vector.broadcast %add3A_451 : f32 to vector<16xf32>
        %add3A_453 = arith.addf %sub3A_450, %add3A_452 : vector<16xf32>
        %max3A_454 = arith.constant 0.000000e+00 : f32
        %max3A_455 = vector.broadcast %max3A_454 : f32 to vector<16xf32>
        %max3A_456 = arith.maximumf %add3A_453, %max3A_455 : vector<16xf32>
        %sub3A_457 = arith.subf %min3A_442, %max3A_439 : vector<16xf32>
        %add3A_458 = arith.constant 1.000000e+00 : f32
        %add3A_459 = vector.broadcast %add3A_458 : f32 to vector<16xf32>
        %add3A_460 = arith.addf %sub3A_457, %add3A_459 : vector<16xf32>
        %max3A_461 = arith.constant 0.000000e+00 : f32
        %max3A_462 = vector.broadcast %max3A_461 : f32 to vector<16xf32>
        %max3A_463 = arith.maximumf %add3A_460, %max3A_462 : vector<16xf32>
        %mul3A_464 = arith.mulf %max3A_449, %max3A_456 : vector<16xf32>
        %mul3A_465 = arith.mulf %mul3A_464, %max3A_463 : vector<16xf32>
        %add3A_466 = arith.addf %mul3A_196, %get3A_434 : vector<16xf32>
        %sub3A_467 = arith.subf %add3A_466, %mul3A_465 : vector<16xf32>
        %div3A_468 = arith.divf %mul3A_465, %sub3A_467 : vector<16xf32>
        %ge3A_469 = arith.constant 0.699999988 : f32
        %ge3A_470 = vector.broadcast %ge3A_469 : f32 to vector<16xf32>
        %ge3A_471 = arith.cmpf oge, %div3A_468, %ge3A_470 : vector<16xf32>
        %jit3A_472 = arith.constant 0xFF800000 : f32
        %broadcast_in_dim3A_473 = vector.broadcast %jit3A_472 : f32 to vector<16xf32>
        %select_n3A_474 = arith.select %ge3A_471, %broadcast_in_dim3A_473, %get3A_436 : vector<16xi1>, vector<16xf32>
        %swap3A_475 = arith.index_cast %mul3A_420 : i32 to index
        %swap3A_476 = tpu.vector_load %arg19[%swap3A_475] {strides = array<i32>} : memref<1280xf32, #tpu.memory_space<vmem>>, vector<16xf32>,
        tpu.vector_store %arg19[%swap3A_475], %select_n3A_474 {strides = array<i32>} : memref<1280xf32, #tpu.memory_space<vmem>>, vector<16xf32>,
        %mul3A_477 = arith.constant 16 : i32
        %mul3A_478 = arith.muli %add3A_418, %mul3A_477 : i32
        %convert_element_type3A_479 = arith.sitofp %mul3A_478 : i32 to f32
        %add3A_480 = arith.addf %convert_element_type3A, %convert_element_type3A_479 : f32
        %broadcast_in_dim3A_481 = vector.broadcast %add3A_480 : f32 to vector<16xf32>
        %add3A_482 = arith.addf %broadcast_in_dim3A_481, %convert_element_type3A_12 : vector<16xf32>
        %gt3A_483 = arith.cmpf ogt, %select_n3A_474, %select_n3A_413 : vector<16xf32>
        %select_n3A_484 = arith.select %gt3A_483, %select_n3A_474, %select_n3A_413 : vector<16xi1>, vector<16xf32>
        %select_n3A_485 = arith.select %gt3A_483, %add3A_482, %select_n3A_414 : vector<16xi1>, vector<16xf32>
        scf.yield %select_n3A_484, %select_n3A_485 : vector<16xf32>, vector<16xf32>
      }
      %scan3A_202 = arith.constant 20 : i32
      scf.yield %scan3A_201#0, %scan3A_201#1 : vector<16xf32>, vector<16xf32>
    }
    %scan3A_26 = arith.constant 128 : i32
    %eq3A = arith.constant 0 : i32
    %eq3A_27 = arith.cmpi eq, %arg1, %eq3A : i32
    %convert_element_type3A_28 = arith.extui %eq3A_27 : i1 to i32
    %cond3A = arith.constant 0 : i32
    %cond3A_29 = arith.cmpi ne, %convert_element_type3A_28, %cond3A : i32
    scf.if %cond3A_29 {
      "tpu.region"() ({
        %run_scoped3A_30 = tpu.sem_alloc : memref<!tpu.dma_semaphore, #tpu.memory_space<semaphore_mem>>
        tpu.enqueue_dma source(%arg22 : memref<2048xf32, #tpu.memory_space<vmem>>) target(%arg5 : memref<2048xf32, #tpu.memory_space<hbm>>) target_semaphore(%run_scoped3A_30 : memref<!tpu.dma_semaphore, #tpu.memory_space<semaphore_mem>>)
        tpu.wait_dma2 semaphore(%run_scoped3A_30 : memref<!tpu.dma_semaphore, #tpu.memory_space<semaphore_mem>>) src(%arg22 : memref<2048xf32, #tpu.memory_space<vmem>>) dst(%arg5 : memref<2048xf32, #tpu.memory_space<hbm>>)
        tpu.yield
      }) : () -> ()
    } else {
    }
    return
  }
}

</mosaic_0001>

<sc_bundles>
// kernel: kernel.3.cloned.1.call-start
scs
__scs_entry_jumppad:
0x0: {  	(pc) =	sbr.rel $0x88, $3  }
0x1: {  	(tag) =	ssettag $0x0;
	lr =	simm.s32 $0x1  }
0x2: {  	[smem:$0x3F9E] =	sst lr;
	_ =	strace $0xD0000000  }
0x3: {  	_ = 	snop  }
0x4: {  	_ = 	snop  }
0x5: {  	_ = 	snop  }
0x6: {  	_ = 	snop  }
0x7: {  	_ = 	snop  }
__scs_overlays_trampoline_lowered:
0x8: {  	[smem:$0x3FAD] =	sst s0  }
0x9: {  	[smem:$0x3FAE] =	sst s1  }
0xa: {  	[smem:$0x3FAF] =	sst s2  }
0xb: {  	[smem:$0x3FB0] =	sst s3  }
0xc: {  	[smem:$0x3FB1] =	sst s4  }
0xd: {  	[smem:$0x3FB2] =	sst s5  }
0xe: {  	[smem:$0x3FB3] =	sst s6  }
0xf: {  	[smem:$0x3FB4] =	sst s7  }
0x10: {  	[smem:$0x3FB5] =	sst s8  }
0x11: {  	[smem:$0x3FB6] =	sst s9;
	s0 =	simm.s32 @!p0 $0x0  }
0x12: {  	s1 =	sld [smem:$0x3F9C];
	s0 =	simm.s32 @p0 $0x1  }
0x13: {  	[smem:$0x3FB7] =	sst s0;
	s0 =	simm.s32 @!p1 $0x0  }
0x14: {  	s2 =	sld [smem:$0x3F9B];
	s0 =	simm.s32 @p1 $0x1  }
0x15: {  	[smem:$0x3FB8] =	sst s0;
	s0 =	simm.s32 @!p2 $0x0  }
0x16: {  	s3 =	sld [smem:$0x3FDB];
	s0 =	simm.s32 @p2 $0x1  }
0x17: {  	s4 =	simm.s32 $0x1BF5;
	[smem:$0x3FBA] =	sst s0  }
0x18: {  	s0 =	sld [smem:$0x3F9D];
	_ =	swait.ge [sflag:s4], $0x0  }
0x19: {  	s7 =	sld [smem:$0x3F9E]  }
0x1a: {  	s8 =	sadd.s32 $0xFFFFE003, lr  }
0x1b: {  	s9 =	sadd.s32 $0xFFFFFEF7, lr;
	s5 =	simm.s32 $0xFFFFFFFF;
	p2 =	slt.u32 s8, $0xFFFFF086  }
0x1c: {  	p1 =	slt.u32 s9, $0xF7A;
	s5 =	simm.s32 @!p2 $0x0  }
0x1d: {  	s5 =	simm.s32 @p1 $0x1;
	p0 =	seq.s32 s7, s2  }
0x1e: {  	s7 =	smul.u32 @!p0 $0xF7A, s2;
	p2 =	seq.s32 @!p0 s5, $0x0  }
0x1f: {  	s9 =	smul.u32 $0xF7A, s1;
	s8 =	simm.s32 @!p0 $0x1BF5;
	p2 =	por !p2, p0  }
0x20: {  	[sflag:s8] =	ssyncset.s32 @!p0 $0xFFFFF086;
	s6 =	sadd.s32 @!p0 s3, s7;
	s7 =	simm.s32 @!p0 $0x108  }
0x21: {  	s3 =	sadd.s32 s3, s9;
	s6 =	sadd.s32 @!p0 $0x88, s6;
	s7 =	simm.s32 @p2 $0x1082  }
0x22: {  	[simem:s7], [sflag:s8] =	dma.local @!p0 [hbm:s6], $0xF7A  }
0x23: {  	s9 =	sor.u32 $0xD0000000, s2;
	s6 =	simm.s32 $0x108;
	_ =	swait.ge @!p0 [sflag:s8], $0x0  }
0x24: {  	s3 =	sadd.s32 $0x88, s3;
	s6 =	simm.s32 @!p1 $0x1082;
	[sflag:s4] =	ssyncset.s32 $0xFFFFF086  }
0x25: {  	[simem:s6], [sflag:s4] =	dma.local [hbm:s3], $0xF7A  }
0x26: {  	[smem:$0x3F9E] =	sst s1;
	(tag) =	ssettag s2;
	_ =	strace s9  }
0x27: {  	s1 =	sld [smem:$0x3FAE]  }
0x28: {  	s2 =	sld [smem:$0x3FAF]  }
0x29: {  	s4 =	sld [smem:$0x3FB1]  }
0x2a: {  	p0 =	seq.s32 s5, $0x0;
	s5 =	sld [smem:$0x3FB2]  }
0x2b: {  	s6 =	sld [smem:$0x3FB3]  }
0x2c: {  	s7 =	sld [smem:$0x3FB4]  }
0x2d: {  	s3 =	simm.s32 $0x108;
	s8 =	sld [smem:$0x3FB5]  }
0x2e: {  	s3 =	simm.s32 @!p0 $0x1082;
	s9 =	sld [smem:$0x3FB6]  }
0x2f: {  	lr =	sadd.s32 s0, s3;
	s0 =	sld [smem:$0x3FAD]  }
0x30: {  	s3 =	sld [smem:$0x3FB0]  }
0x31: {  	[smem:$0x3FB9] =	sst s10  }
0x32: {  	s10 =	sld [smem:$0x3FB7];
	_ =	sdelay $0x3  }
0x33: {  	p0 =	seq.s32 s10, $0x1;
	s10 =	sld [smem:$0x3FB9];
	_ =	sdelay $0x3  }
0x34: {  	[smem:$0x3FB9] =	sst s10  }
0x35: {  	s10 =	sld [smem:$0x3FB8];
	_ =	sdelay $0x3  }
0x36: {  	p1 =	seq.s32 s10, $0x1;
	s10 =	sld [smem:$0x3FB9];
	_ =	sdelay $0x3  }
0x37: {  	[smem:$0x3FB9] =	sst s10  }
0x38: {  	s10 =	sld [smem:$0x3FBA]  }
0x39: {  	_ = 	snop;
	(pc) =	sbr.ind lr, $3  }
0x3a: {  	_ = 	snop  }
0x3b: {  	_ = 	snop  }
0x3c: {  	p2 =	seq.s32 s10, $0x1;
	s10 =	sld [smem:$0x3FB9]  }
0x3d: {  	_ =	shalt  }
0x3e: {  	_ =	shalt  }
0x3f: {  	_ =	shalt  }
0x40: {  	_ =	shalt  }
0x41: {  	_ =	shalt  }
0x42: {  	_ =	shalt  }
0x43: {  	_ =	shalt  }
0x44: {  	_ =	shalt  }
0x45: {  	_ =	shalt  }
0x46: {  	_ =	shalt  }
0x47: {  	_ =	shalt  }
0x48: {  	_ =	shalt  }
0x49: {  	_ =	shalt  }
0x4a: {  	_ =	shalt  }
0x4b: {  	_ =	shalt  }
0x4c: {  	_ =	shalt  }
0x4d: {  	_ =	shalt  }
0x4e: {  	_ =	shalt  }
0x4f: {  	_ =	shalt  }
0x50: {  	_ =	shalt  }
0x51: {  	_ =	shalt  }
0x52: {  	_ =	shalt  }
0x53: {  	_ =	shalt  }
0x54: {  	_ =	shalt  }
0x55: {  	_ =	shalt  }
0x56: {  	_ =	shalt  }
0x57: {  	_ =	shalt  }
0x58: {  	_ =	shalt  }
0x59: {  	_ =	shalt  }
0x5a: {  	_ =	shalt  }
0x5b: {  	_ =	shalt  }
0x5c: {  	_ =	shalt  }
0x5d: {  	_ =	shalt  }
0x5e: {  	_ =	shalt  }
0x5f: {  	_ =	shalt  }
0x60: {  	_ =	shalt  }
0x61: {  	_ =	shalt  }
0x62: {  	_ =	shalt  }
0x63: {  	_ =	shalt  }
0x64: {  	_ =	shalt  }
0x65: {  	_ =	shalt  }
0x66: {  	_ =	shalt  }
0x67: {  	_ =	shalt  }
0x68: {  	_ =	shalt  }
0x69: {  	_ =	shalt  }
0x6a: {  	_ =	shalt  }
0x6b: {  	_ =	shalt  }
0x6c: {  	_ =	shalt  }
0x6d: {  	_ =	shalt  }
0x6e: {  	_ =	shalt  }
0x6f: {  	_ =	shalt  }
0x70: {  	_ =	shalt  }
0x71: {  	_ =	shalt  }
0x72: {  	_ =	shalt  }
0x73: {  	_ =	shalt  }
0x74: {  	_ =	shalt  }
0x75: {  	_ =	shalt  }
0x76: {  	_ =	shalt  }
0x77: {  	_ =	shalt  }
0x78: {  	_ =	shalt  }
0x79: {  	_ =	shalt  }
0x7a: {  	_ =	shalt  }
0x7b: {  	_ =	shalt  }
0x7c: {  	_ =	shalt  }
0x7d: {  	_ =	shalt  }
0x7e: {  	_ =	shalt  }
0x7f: {  	_ =	shalt  }
0x80: {  	_ =	shalt  }
0x81: {  	_ =	shalt  }
0x82: {  	_ =	shalt  }
0x83: {  	_ =	shalt  }
0x84: {  	_ =	shalt  }
0x85: {  	_ =	shalt  }
0x86: {  	_ =	shalt  }
0x87: {  	_ =	shalt  }
.Lfunc_end0:
.L_simem_size_0:
called_computation_lowered:
.L_overlay_start_0:
0x88: {  	s0 =	sld [smem:$0x3FD9]  }
0x89: {  	s1 =	sld [smem:$0x3FFE];
	_ =	sdelay $0x3  }
0x8a: {  	s0 =	sadd.s32 s1, s0  }
0x8b: {  	[smem:$0x3FC5] =	sst s0  }
0x8c: {  	_ = 	snop  }
0x8d: {  	(tm) =	ssettm $0x1  }
0x8e: {  	s15 =	sld [smem:$0x3FFB];
	_ =	sdelay $0x3  }
0x8f: {  	_ =	strace s15  }
0x90: {  	s0 =	sld [smem:$0x3FFC];
	_ =	sdelay $0x3  }
0x91: {  	_ =	strace s0  }
0x92: {  	s0 =	sld [smem:$0x3FFD];
	_ =	sdelay $0x3  }
0x93: {  	_ =	strace s0  }
0x94: {  	_ =	strace $0x8FFFFFFF  }
0x95: {  	s16 =	sld [smem:$0x3FDB];
	_ =	sdelay $0x1  }
0x96: {  	s17 =	simm.s32 $_scs_section_size  }
0x97: {  	s2 =	simm.s32 $_size__tile_overlayer_lowered;
	s3 =	simm.s32 $_tile_overlayer_lowered  }
0x98: {  	s20 =	simm.s32 $0x1BFF;
	s19 =	sshll.u32 s3, $0x1;
	s0 =	sadd.s32 s17, s16  }
0x99: {  	s4 =	simm.s32 $0x0;
	s18 =	sshll.u32 s2, $0x1;
	s2 =	sadd.s32 s19, s0  }
0x9a: {  	[timem:s4], [sflag:s20] =	dma.local [hbm:s2], s18  }
0x9b: {  	_ =	swait.ge [sflag:s20], s18  }
0x9c: {  	s1 =	ssub.s32 $0x0, s18;
	[sflag:s20] =	ssyncset.done $0x0  }
0x9d: {  	[sflag:s20] =	ssyncadd.s32 s1;
	_ =	sdelay $0x1  }
0x9e: {  	s21 =	simm.s32 $0x1B8B  }
0x9f: {  	_ =	swait.ge [sflag:s21], $0x1  }
0xa0: {  	[sflag:s21] =	ssyncset.done $0x0  }
0xa1: {  	s23 =	simm.s32 $0x1B8E;
	s22 =	sld [smem:$0x3FFE];
	[sflag:s21] =	ssyncadd.s32 $0xFFFFFFFF  }
0xa2: {  	s24 =	simm.s32 $execute0_lowered;
	[smem:$0x3FD2] =	sst s23  }
0xa3: {  	s2 =	sshll.u32 s24, $0x1;
	_ =	strace $0x80000046;
	[dreg:$0x1] =	wrdreg $0xFFFFFFFF  }
0xa4: {  	s25 =	simm.s32 $_size_execute0_lowered;
	s0 =	sadd.s32 s0, s2;
	[dreg:$0x0] =	wrdreg $0x0  }
0xa5: {  	s2 =	sshll.u32 s25, $0x1;
	[dreg:$0x2] =	wrdreg s0  }
0xa6: {  	[dreg:$0x3] =	wrdreg s2  }
0xa7: {  	[dreg:$0x4] =	wrdreg $0xC0  }
0xa8: {  	_ =	task [dreg:s4], $0x5FFFF  }
0xa9: {  	[dreg:$0x1] =	wrdreg $0xFFFFFFFF  }
0xaa: {  	[dreg:$0x0] =	wrdreg $0x60  }
0xab: {  	[dreg:$0x2] =	wrdreg s22  }
0xac: {  	[dreg:$0x3] =	wrdreg $0x4F000  }
0xad: {  	[dreg:$0x4] =	wrdreg $0x9  }
0xae: {  	_ =	task.clear_ibuf [dreg:s4], $0x5FFFF;
	_ =	strace $0x90000046  }
0xaf: {  	s26 =	simm.s32 $0x9;
	_ =	strace $0x80000048  }
0xb0: {  	_ =	swait.ge [sflag:s26], $0x1  }
0xb1: {  	[sflag:s26] =	ssyncadd.s32 $0xFFFFFFFF  }
0xb2: {  	_ =	strace $0x90000048  }
0xb3: {  	_ =	sfence  }
0xb4: {  	s28 =	sld [smem:$0x0];
	_ =	sdelay $0x1  }
0xb5: {  	s29 =	srdreg.scid  }
0xb6: {  	s30 =	sshll.u32 s29, $0xD;
	s31 =	sshrl.u32 s29, $0x2  }
0xb7: {  	s1 =	sand.u32 $0x1, s29;
	s2 =	sand.u32 $0x4000, s30;
	s0 =	sadd.s32 s31, s28  }
0xb8: {  	s1 =	sor.u32 s2, s1;
	s0 =	sshll.u32 s0, $0x11  }
0xb9: {  	s0 =	sor.u32 s0, s1  }
0xba: {  	s0 =	sadd.s32 $0x8F2B, s0  }
0xbb: {  	[sflag:s0] =	ssyncadd.remote.s32 $0x1  }
0xbc: {  	_ =	sfence.sel $0xFFFF  }
0xbd: {  	[dreg:$0x0] =	wrdreg $0xFFFFFFFF;
	(pc) =	sbr.abs _section_cstart, $3  }
0xbe: {  	[dreg:$0x1] =	wrdreg $0xFFFFFFFF  }
0xbf: {  	_ =	task.clear_ibuf [dreg:s4], $0x2FFFF;
	_ =	strace $0x9FFFFFFF  }
0xc0: {  	(tm) =	ssettm $0x7FFFFFFF  }
0xc1: {  	_ =	shalt  }
tec
execute0_lowered:
.L_overlay_start_1:
0x0: {  	(tag) =	ssettag $0x1  }
0x1: {  	s5 =	rddreg [dreg:$0x0]  }
0x2: {  	s1 =	rddreg [dreg:$0x1];
	s2 =	stileid.u32  }
0x3: {  	s0 =	rddreg [dreg:$0x2];
	s4 =	simm.s32 $0x0;
	s3 =	smul.u32 $0x500, s2  }
0x4: {  	s7 =	simm.s32 $0x80;
	[smem:$0x7FF] =	sst s4;
	s9 =	sadd.s32 $0x800, s5  }
0x5: {  	s8 =	simm.s32 $0x400;
	_ =	strace $0x80000047;
	s6 =	sadd.s32 s9, s3  }
0x6: {  	[tilespmem:s4], [sflag:$0x1] =	stream.strided.gather [hbm4b:s6+s7], $0x500, s8, s7, $0x38;
	[tilespmem:$0x4F10] =	vst v63  }
0x7: {  	s6 =	simm.s32 $0x1  }
0x8: {  	_ =	swait.ge [sflag:s6], $0x500  }
0x9: {  	s10 =	sor.u32 $0x10, s3;
	[sflag:s6] =	ssyncset.done $0x0  }
0xa: {  	s12 =	simm.s32 $0x500;
	s11 =	sadd.s32 s9, s10;
	[sflag:s6] =	ssyncadd.s32 $0xFFFFFB00  }
0xb: {  	[tilespmem:s12], [sflag:$0x1] =	stream.strided.gather [hbm4b:s11+s7], $0x500, s8, s7, $0x38;
	[tilespmem:$0x4F10] =	vst v63  }
0xc: {  	_ =	swait.ge [sflag:s6], $0x500  }
0xd: {  	s24 =	sor.u32 $0x20, s3;
	[sflag:s6] =	ssyncset.done $0x0  }
0xe: {  	s13 =	simm.s32 $0xA00;
	s25 =	sadd.s32 s9, s24;
	[sflag:s6] =	ssyncadd.s32 $0xFFFFFB00  }
0xf: {  	[tilespmem:s13], [sflag:$0x1] =	stream.strided.gather [hbm4b:s25+s7], $0x500, s8, s7, $0x38;
	[tilespmem:$0x4F10] =	vst v63  }
0x10: {  	_ =	swait.ge [sflag:s6], $0x500  }
0x11: {  	s26 =	sor.u32 $0x30, s3;
	[sflag:s6] =	ssyncset.done $0x0  }
0x12: {  	s14 =	simm.s32 $0xF00;
	s28 =	sadd.s32 s9, s26;
	[sflag:s6] =	ssyncadd.s32 $0xFFFFFB00  }
0x13: {  	[tilespmem:s14], [sflag:$0x1] =	stream.strided.gather [hbm4b:s28+s7], $0x500, s8, s7, $0x38;
	[tilespmem:$0x4F10] =	vst v63  }
0x14: {  	_ =	swait.ge [sflag:s6], $0x500  }
0x15: {  	s29 =	sor.u32 $0x40, s3;
	[sflag:s6] =	ssyncset.done $0x0  }
0x16: {  	s15 =	simm.s32 $0x1400;
	s30 =	sadd.s32 s9, s29;
	[sflag:s6] =	ssyncadd.s32 $0xFFFFFB00  }
0x17: {  	[tilespmem:s15], [sflag:$0x1] =	stream.strided.gather [hbm4b:s30+s7], $0x500, s8, s7, $0x38;
	[tilespmem:$0x4F10] =	vst v63  }
0x18: {  	_ =	swait.ge [sflag:s6], $0x500  }
0x19: {  	s31 =	sor.u32 $0x50, s3;
	[sflag:s6] =	ssyncset.done $0x0  }
0x1a: {  	s17 =	simm.s32 $0x1900;
	s9 =	sadd.s32 s9, s31;
	[sflag:s6] =	ssyncadd.s32 $0xFFFFFB00  }
0x1b: {  	[tilespmem:s17], [sflag:$0x1] =	stream.strided.gather [hbm4b:s9+s7], $0x500, s8, s7, $0x38;
	[tilespmem:$0x4F10] =	vst v63  }
0x1c: {  	_ =	swait.ge [sflag:s6], $0x500  }
0x1d: {  	s18 =	sadd.s32 $0x5800, s5;
	[sflag:s6] =	ssyncset.done $0x0  }
0x1e: {  	s16 =	simm.s32 $0x1E00;
	s19 =	sadd.s32 s18, s3;
	[sflag:s6] =	ssyncadd.s32 $0xFFFFFB00  }
0x1f: {  	[tilespmem:s16], [sflag:$0x1] =	stream.strided.gather [hbm4b:s19+s7], $0x500, s8, s7, $0x38;
	[tilespmem:$0x4F10] =	vst v63  }
0x20: {  	_ =	swait.ge [sflag:s6], $0x500  }
0x21: {  	[sflag:s6] =	ssyncset.done $0x0  }
0x22: {  	s20 =	simm.s32 $0x2300;
	s10 =	sadd.s32 s18, s10;
	[sflag:s6] =	ssyncadd.s32 $0xFFFFFB00  }
0x23: {  	[tilespmem:s20], [sflag:$0x1] =	stream.strided.gather [hbm4b:s10+s7], $0x500, s8, s7, $0x38;
	[tilespmem:$0x4F10] =	vst v63  }
0x24: {  	_ =	swait.ge [sflag:s6], $0x500  }
0x25: {  	[sflag:s6] =	ssyncset.done $0x0  }
0x26: {  	s22 =	simm.s32 $0x2800;
	s21 =	sadd.s32 s18, s24;
	[sflag:s6] =	ssyncadd.s32 $0xFFFFFB00  }
0x27: {  	[tilespmem:s22], [sflag:$0x1] =	stream.strided.gather [hbm4b:s21+s7], $0x500, s8, s7, $0x38;
	[tilespmem:$0x4F10] =	vst v63  }
0x28: {  	_ =	swait.ge [sflag:s6], $0x500  }
0x29: {  	[sflag:s6] =	ssyncset.done $0x0  }
0x2a: {  	s23 =	sadd.s32 s18, s26;
	s24 =	simm.s32 $0x2D00;
	[sflag:s6] =	ssyncadd.s32 $0xFFFFFB00  }
0x2b: {  	[tilespmem:s24], [sflag:$0x1] =	stream.strided.gather [hbm4b:s23+s7], $0x500, s8, s7, $0x38;
	[tilespmem:$0x4F10] =	vst v63  }
0x2c: {  	_ =	swait.ge [sflag:s6], $0x500  }
0x2d: {  	[sflag:s6] =	ssyncset.done $0x0  }
0x2e: {  	s26 =	simm.s32 $0x3200;
	s25 =	sadd.s32 s18, s29;
	[sflag:s6] =	ssyncadd.s32 $0xFFFFFB00  }
0x2f: {  	[tilespmem:s26], [sflag:$0x1] =	stream.strided.gather [hbm4b:s25+s7], $0x500, s8, s7, $0x38;
	[tilespmem:$0x4F10] =	vst v63  }
0x30: {  	_ =	swait.ge [sflag:s6], $0x500  }
0x31: {  	[sflag:s6] =	ssyncset.done $0x0  }
0x32: {  	s28 =	simm.s32 $0x3700;
	s9 =	sadd.s32 s18, s31;
	[sflag:s6] =	ssyncadd.s32 $0xFFFFFB00  }
0x33: {  	[tilespmem:s28], [sflag:$0x1] =	stream.strided.gather [hbm4b:s9+s7], $0x500, s8, s7, $0x38;
	[tilespmem:$0x4F10] =	vst v63  }
0x34: {  	s29 =	sshrl.u32 s3, $0x3;
	_ =	swait.ge [sflag:s6], $0x500  }
0x35: {  	s7 =	sadd.s32 s29, s5;
	[sflag:s6] =	ssyncset.done $0x0  }
0x36: {  	s30 =	simm.s32 $0x4100;
	s7 =	sadd.s32 $0xA800, s7;
	[sflag:s6] =	ssyncadd.s32 $0xFFFFFB00  }
0x37: {  	[tilespmem:s30], [sflag:$0x1] =	stream.linear.gather [hbm4b:s7+s4], $0x500, $0x38;
	[tilespmem:$0x4F10] =	vst v63  }
0x38: {  	_ =	swait.ge [sflag:s6], $0x500  }
0x39: {  	[sflag:s6] =	ssyncset.done $0x0  }
0x3a: {  	[sflag:s6] =	ssyncadd.s32 $0xFFFFFB00;
	s6 =	simm.s32 $0x0  }
0x3b: {  	v0 =	vld [tilespmem:s6+$0x3700]  }
0x3c: {  	v1 =	vld [tilespmem:s6+$0x3200];
	_ =	sdelay $0x3  }
0x3d: {  	v0 =	vmul.f32 $1.442695020e+00, v0  }
0x3e: {  	v1 =	vmul.f32 $1.442695020e+00, v1  }
0x3f: {  	v2 =	vld [tilespmem:s6+$0x1400];
	(erf) = vpow2.f32 v0  }
0x40: {  	v3 =	vimm.f32 $1.500000000e+01;
	vm14 =	vcmask $0x300;
	v0 =	vld [tilespmem:s6+$0x500];
	(erf) = vpow2.f32 v1  }
0x41: {  	vm13 =	vcmask $0x704;
	v3 =	vsel vm14, $0x0, v3  }
0x42: {  	vm12 =	vcmask $0xB08;
	v1 =	vsel vm13, $0x3F800000, v3;
	v3 =	vld [tilespmem:s6+$0x2D00]  }
0x43: {  	vm7 =	vcmask $0xF0C;
	vm6 =	vcmask $0x1310;
	v1 =	vsel vm12, $0x40000000, v1  }
0x44: {  	vm0 =	vcmask $0x1714;
	vm1 =	vcmask $0x1B18;
	v1 =	vsel vm7, $0x40400000, v1  }
0x45: {  	vm2 =	vcmask $0x1F1C;
	v4 =	vld [tilespmem:s6+$0x2300];
	v1 =	vsel vm6, $0x40800000, v1;
	v2 =	vsub.f32 v2, v0  }
0x46: {  	vm3 =	vcmask $0x2320;
	vm4 =	vcmask $0x2724;
	v1 =	vsel vm0, $0x40A00000, v1  }
0x47: {  	v1 =	vsel vm1, $0x40C00000, v1;
	v3 =	vmul.f32 $1.442695020e+00, v3;
	v2 =	vadd.f32 $1.000000000e+00, v2  }
0x48: {  	vm5 =	vcmask $0x2B28;
	vm10 =	vcmask $0x2F2C;
	s14 =	simm.s32 $0x10;
	v9 =	vld [tilespmem:s6+$0xF00];
	v1 =	vsel vm2, $0x40E00000, v1;
	v7 =	vpop (erf)  }
0x49: {  	v10 =	vld [tilespmem:s14+$0x3700];
	v1 =	vsel vm3, $0x41000000, v1;
	v6 =	vmul.f32 $5.000000000e-01, v2;
	(erf) = vpow2.f32 v3;
	v8 =	vpop (erf)  }
0x4a: {  	v1 =	vsel vm4, $0x41100000, v1;
	v4 =	vmul.f32 v4, v2;
	v2 =	vmul.f32 v8, v2;
	v8 =	vld [tilespmem:s6+$0x0]  }
0x4b: {  	vm11 =	vcmask $0x3330;
	v1 =	vsel vm5, $0x41200000, v1;
	v0 =	vadd.f32 v6, v0  }
0x4c: {  	vm8 =	vcmask $0x3734;
	vm9 =	vcmask $0x3B38;
	v5 =	vld [tilespmem:s6+$0x4100];
	v1 =	vsel vm10, $0x41300000, v1  }
0x4d: {  	v1 =	vsel vm11, $0x41400000, v1;
	v2 =	vmul.f32 $5.000000000e-01, v2;
	v0 =	vadd.f32 v0, v4  }
0x4e: {  	s4 =	scvt.s32.f32 s3;
	v12 =	vld [tilespmem:s6+$0x1E00];
	v10 =	vmul.f32 $1.442695020e+00, v10;
	v4 =	vimm.f32 $1.000000000e+09;
	v1 =	vsel vm8, $0x41500000, v1  }
0x4f: {  	v14 =	vld [tilespmem:s14+$0x3200];
	v1 =	vsel vm9, $0x41600000, v1;
	v13 =	vadd.f32 v2, v0;
	v9 =	vsub.f32 v9, v8  }
0x50: {  	v15 =	vld [tilespmem:s6+$0xA00];
	v6 =	vimm.f32 $-Inf;
	v0 =	vsub.f32 v0, v2;
	v16 =	vadd.f32 s4, v1  }
0x51: {  	vm15 =	vgt.f32 v5, v6;
	v2 =	vmax.f32 v13, $0.0e+00;
	v13 =	vld [tilespmem:s6+$0x1900];
	v9 =	vadd.f32 $1.000000000e+00, v9  }
0x52: {  	(erf) = vpow2.f32 v10;
	v0 =	vmax.f32 v0, $0.0e+00;
	v16 =	vsel vm15, v16, v4;
	v4 =	vpop (erf)  }
0x53: {  	v11 =	vld [tilespmem:s14+$0x4100];
	v2 =	vmin.f32 v2, $2.230000000e+02;
	v17 =	vmul.f32 $5.000000000e-01, v9;
	v4 =	vmul.f32 v4, v9  }
0x54: {  	v3 =	vld [tilespmem:s14+$0x2D00];
	v0 =	vmin.f32 v0, $2.230000000e+02;
	[tilespmem:s6+$0x1400] =	vst v2;
	v9 =	vmul.f32 v12, v9;
	v12 =	vmul.f32 $1.442695020e+00, v14  }
0x55: {  	v10 =	vld [tilespmem:s14+$0x1400];
	[tilespmem:s6+$0x500] =	vst v0;
	v8 =	vadd.f32 v17, v8  }
0x56: {  	v5 =	vsel vm15, v5, v6;
	v6 =	vld [tilespmem:s14+$0x500];
	v13 =	vsub.f32 v13, v15;
	(erf) = vpow2.f32 v12  }
0x57: {  	s7 =	sadd.s32 $0x10, s3;
	v2 =	vsub.f32 v2, v0;
	v14 =	vld [tilespmem:s6+$0x2800];
	v0 =	vadd.f32 v8, v9;
	v8 =	vmul.f32 $5.000000000e-01, v4  }
0x58: {  	s31 =	scvt.s32.f32 s7;
	vm15 =	vgt.f32 v11, v5;
	v13 =	vadd.f32 $1.000000000e+00, v13  }
0x59: {  	v4 =	vsel vm15, v11, v5;
	v11 =	vsub.f32 v0, v8;
	v0 =	vadd.f32 v8, v0  }
0x5a: {  	v18 =	vadd.f32 s31, v1;
	v9 =	vmul.f32 v7, v13;
	v7 =	vld [tilespmem:s14+$0x2300]  }
0x5b: {  	v3 =	vmul.f32 $1.442695020e+00, v3;
	v8 =	vsub.f32 v10, v6;
	v12 =	vmul.f32 $5.000000000e-01, v13  }
0x5c: {  	v5 =	vsel vm15, v18, v16;
	v13 =	vmul.f32 v14, v13;
	v10 =	vmax.f32 v11, $0.0e+00  }
0x5d: {  	s5 =	sadd.s32 $0xB200, s5;
	s8 =	simm.s32 $0x80;
	v11 =	vmax.f32 v0, $0.0e+00;
	v8 =	vadd.f32 $1.000000000e+00, v8;
	v12 =	vadd.f32 v12, v15;
	v0 =	vpop (erf)  }
.LBB2_1:
0x5e: {  	s9 =	sshra.s32 s8, $0x2;
	p0 =	sne.s32 s8, $0x13C0;
	s8 =	sadd.s32 $0x40, s8;
	v10 =	vmin.f32 v10, $2.230000000e+02;
	v9 =	vmul.f32 $5.000000000e-01, v9;
	v11 =	vmin.f32 v11, $2.230000000e+02  }
0x5f: {  	s7 =	sadd.s32 $0x10, s7;
	v14 =	vld [tilespmem:s9+$0x3700];
	v15 =	vmul.f32 $5.000000000e-01, v8;
	v7 =	vmul.f32 v7, v8;
	v16 =	vpop (erf);
	v12 =	vadd.f32 v12, v13;
	[tilespmem:s6+$0xF00] =	vst v11  }
0x60: {  	s10 =	scvt.s32.f32 s7;
	v13 =	vld [tilespmem:s14+$0xF00];
	v8 =	vmul.f32 v16, v8;
	[tilespmem:s6+$0x0] =	vst v10;
	v10 =	vsub.f32 v11, v10  }
0x61: {  	v11 =	vld [tilespmem:s14+$0x0];
	v6 =	vadd.f32 v15, v6;
	(erf) = vpow2.f32 v3;
	v3 =	vsub.f32 v12, v9  }
0x62: {  	v16 =	vadd.f32 s10, v1;
	v9 =	vadd.f32 v9, v12;
	v15 =	vld [tilespmem:s9+$0x2D00];
	v8 =	vmul.f32 $5.000000000e-01, v8  }
0x63: {  	v12 =	vld [tilespmem:s9+$0x4100];
	v6 =	vadd.f32 v6, v7;
	v3 =	vmax.f32 v3, $0.0e+00;
	v7 =	vadd.f32 $1.000000000e+00, v10  }
0x64: {  	v2 =	vadd.f32 $1.000000000e+00, v2;
	v9 =	vmax.f32 v9, $0.0e+00;
	v10 =	vld [tilespmem:s14+$0x1E00];
	v3 =	vmin.f32 v3, $2.230000000e+02  }
0x65: {  	v17 =	vld [tilespmem:s9+$0x3200];
	v18 =	vsub.f32 v6, v8;
	v6 =	vadd.f32 v8, v6;
	v8 =	vmin.f32 v9, $2.230000000e+02;
	[tilespmem:s6+$0xA00] =	vst v3  }
0x66: {  	v9 =	vmul.f32 $1.442695020e+00, v14;
	v14 =	vld [tilespmem:s14+$0xA00];
	v13 =	vsub.f32 v13, v11;
	[tilespmem:s6+$0x1900] =	vst v8;
	v8 =	vsub.f32 v8, v3  }
0x67: {  	v7 =	vmul.f32 v2, v7;
	v3 =	vmul.f32 $1.442695020e+00, v15;
	v15 =	vld [tilespmem:s14+$0x1900];
	v6 =	vmax.f32 v6, $0.0e+00  }
0x68: {  	v2 =	vmax.f32 v18, $0.0e+00;
	v13 =	vadd.f32 $1.000000000e+00, v13;
	v6 =	vmin.f32 v6, $2.230000000e+02  }
0x69: {  	v2 =	vmin.f32 v2, $2.230000000e+02;
	v8 =	vadd.f32 $1.000000000e+00, v8;
	(erf) = vpow2.f32 v9;
	[tilespmem:s14+$0x1400] =	vst v6  }
0x6a: {  	v9 =	vld [tilespmem:s9+$0x1400];
	v17 =	vmul.f32 $1.442695020e+00, v17;
	v18 =	vmul.f32 $5.000000000e-01, v13;
	[tilespmem:s14+$0x500] =	vst v2;
	v2 =	vsub.f32 v6, v2;
	v19 =	vpop (erf)  }
0x6b: {  	vm15 =	vgt.f32 v12, v4;
	v7 =	vmul.f32 v8, v7;
	v6 =	vld [tilespmem:s9+$0x500];
	v19 =	vmul.f32 v19, v13  }
0x6c: {  	v10 =	vmul.f32 v10, v13;
	(erf) = vpow2.f32 v17;
	v8 =	vadd.f32 v18, v11  }
0x6d: {  	v4 =	vsel vm15, v12, v4;
	v5 =	vsel vm15, v16, v5;
	v11 =	vsub.f32 v15, v14;
	[tilespmem:s6+$0x3C00] =	vst v7;
	s6 =	smov.u32 s14;
	s14 =	smov.u32 s9  }
0x6e: {  	v13 =	vld [tilespmem:s6+$0x2800];
	v8 =	vadd.f32 v8, v10;
	v10 =	vmul.f32 $5.000000000e-01, v19  }
.Ltmp0:
0x6f: {  	v15 =	vadd.f32 $1.000000000e+00, v11;
	(pc) =	sbr.rel @p0 .LBB2_1-.Ltmp0, $4  }
0x70: {  	v7 =	vld [tilespmem:s14+$0x2300];
	v11 =	vsub.f32 v8, v10;
	v8 =	vadd.f32 v10, v8  }
0x71: {  	v12 =	vsub.f32 v9, v6;
	v16 =	vmul.f32 $5.000000000e-01, v15;
	v9 =	vmul.f32 v0, v15  }
0x72: {  	v0 =	vpop (erf);
	v10 =	vmax.f32 v11, $0.0e+00;
	v11 =	vmax.f32 v8, $0.0e+00  }
0x73: {  	v8 =	vadd.f32 $1.000000000e+00, v12;
	v12 =	vadd.f32 v16, v14;
	v13 =	vmul.f32 v13, v15  }
0x74: {  	_ = 	snop  }
0x75: {  	v1 =	vmul.f32 $5.000000000e-01, v9;
	v45 =	vmin.f32 v11, $2.230000000e+02;
	v46 =	vadd.f32 v12, v13  }
0x76: {  	v10 =	vmin.f32 v10, $2.230000000e+02;
	[tilespmem:s6+$0xF00] =	vst v45;
	v47 =	vmul.f32 $5.000000000e-01, v8;
	v48 =	vpop (erf)  }
0x77: {  	v9 =	vsub.f32 v45, v10;
	v14 =	vld [tilespmem:s14+$0xF00];
	v49 =	vmul.f32 v48, v8;
	[tilespmem:s6+$0x0] =	vst v10;
	v15 =	vsub.f32 v46, v1  }
0x78: {  	v7 =	vmul.f32 v7, v8;
	v6 =	vadd.f32 v47, v6;
	v50 =	vld [tilespmem:s14+$0x0];
	v1 =	vadd.f32 v1, v46  }
0x79: {  	(erf) = vpow2.f32 v3;
	v8 =	vmul.f32 $5.000000000e-01, v49;
	v51 =	vmax.f32 v15, $0.0e+00  }
0x7a: {  	v6 =	vadd.f32 v6, v7;
	v1 =	vmax.f32 v1, $0.0e+00;
	v52 =	vmin.f32 v51, $2.230000000e+02  }
0x7b: {  	v2 =	vadd.f32 $1.000000000e+00, v2;
	v3 =	vld [tilespmem:s14+$0x1E00];
	v7 =	vadd.f32 $1.000000000e+00, v9;
	v1 =	vmin.f32 v1, $2.230000000e+02;
	[tilespmem:s6+$0xA00] =	vst v52  }
0x7c: {  	v54 =	vadd.f32 v8, v6;
	v53 =	vld [tilespmem:s14+$0xA00];
	[tilespmem:s6+$0x1900] =	vst v1;
	v1 =	vsub.f32 v1, v52  }
0x7d: {  	v6 =	vsub.f32 v6, v8;
	v55 =	vsub.f32 v14, v50;
	v56 =	vld [tilespmem:s14+$0x1900]  }
0x7e: {  	v2 =	vmul.f32 v2, v7;
	v11 =	vmax.f32 v54, $0.0e+00;
	v1 =	vadd.f32 $1.000000000e+00, v1  }
0x7f: {  	v6 =	vmax.f32 v6, $0.0e+00;
	v7 =	vadd.f32 $1.000000000e+00, v55;
	v57 =	vmin.f32 v11, $2.230000000e+02  }
0x80: {  	v6 =	vmin.f32 v6, $2.230000000e+02;
	[tilespmem:s14+$0x1400] =	vst v57;
	v1 =	vmul.f32 v1, v2  }
0x81: {  	[tilespmem:s14+$0x500] =	vst v6;
	v2 =	vmul.f32 $5.000000000e-01, v7  }
0x82: {  	v58 =	vpop (erf);
	v10 =	vsub.f32 v56, v53;
	[tilespmem:s6+$0x3C00] =	vst v1  }
0x83: {  	v3 =	vmul.f32 v3, v7;
	v1 =	vmul.f32 v58, v7;
	v2 =	vadd.f32 v2, v50;
	v7 =	vld [tilespmem:s14+$0x2800]  }
0x84: {  	v10 =	vadd.f32 $1.000000000e+00, v10  }
0x85: {  	v2 =	vadd.f32 v2, v3;
	v1 =	vmul.f32 $5.000000000e-01, v1  }
0x86: {  	v3 =	vmul.f32 $5.000000000e-01, v10  }
0x87: {  	v59 =	vsub.f32 v2, v1  }
0x88: {  	v0 =	vmul.f32 v0, v10;
	v3 =	vadd.f32 v3, v53;
	v7 =	vmul.f32 v7, v10  }
0x89: {  	v60 =	vimm.f32 $1.500000000e+01;
	v1 =	vadd.f32 v1, v2  }
0x8a: {  	v2 =	vmax.f32 v59, $0.0e+00;
	v0 =	vmul.f32 $5.000000000e-01, v0;
	v3 =	vadd.f32 v3, v7  }
0x8b: {  	v9 =	vsel vm14, $0x0, v60;
	v1 =	vmax.f32 v1, $0.0e+00;
	v2 =	vmin.f32 v2, $2.230000000e+02  }
0x8c: {  	v1 =	vmin.f32 v1, $2.230000000e+02;
	v7 =	vsel vm13, $0x3F800000, v9;
	v61 =	vsub.f32 v3, v0  }
0x8d: {  	v0 =	vadd.f32 v0, v3;
	v3 =	vsel vm12, $0x40000000, v7;
	v7 =	vsub.f32 v1, v2  }
0x8e: {  	v6 =	vsub.f32 v57, v6;
	v62 =	vmax.f32 v61, $0.0e+00  }
0x8f: {  	v0 =	vmax.f32 v0, $0.0e+00;
	v7 =	vadd.f32 $1.000000000e+00, v7;
	v8 =	vmin.f32 v62, $2.230000000e+02  }
0x90: {  	v63 =	vmin.f32 v0, $2.230000000e+02;
	v0 =	vsel vm7, $0x40400000, v3;
	v3 =	vadd.f32 $1.000000000e+00, v6  }
0x91: {  	[tilespmem:s14+$0xF00] =	vst v1;
	v1 =	vlaneseq.u32;
	v6 =	vsub.f32 v63, v8  }
0x92: {  	v0 =	vsel vm6, $0x40800000, v0;
	v3 =	vmul.f32 v3, v7;
	v7 =	vimm.s32 $0x76543210  }
0x93: {  	v0 =	vsel vm0, $0x40A00000, v0;
	v6 =	vadd.f32 $1.000000000e+00, v6;
	v7 =	vunpack.c.l.s4.s8 v7  }
0x94: {  	[tilespmem:s14+$0x0] =	vst v2;
	v2 =	vmul.u32 $0x8, v1;
	v0 =	vsel vm1, $0x40C00000, v0  }
0x95: {  	v0 =	vsel vm2, $0x40E00000, v0;
	v3 =	vmul.f32 v6, v3;
	v6 =	vunpack.c.0.s8.s32 v7  }
0x96: {  	vm7 =	vcmask $0x1B20;
	v7 =	vsel vm3, $0x41000000, v0;
	vm3 =	vcmask $0x1F00  }
0x97: {  	vm6 =	vcmask $0x1720;
	v0 =	vnsel vm3, $0x7, v6;
	v6 =	vsel vm4, $0x41100000, v7  }
0x98: {  	vm0 =	vmmov $0x1;
	vm1 =	vcmask $0x320;
	v6 =	vsel vm5, $0x41200000, v6  }
0x99: {  	s12 =	sshll.u32 s2, $0x5;
	s7 =	simm.s32 $0x500;
	s9 =	simm.s32 $0xF00;
	vm2 =	vcmask $0x720;
	vm3 =	vcmask $0xB20;
	v1 =	vsel vm10, $0x41300000, v6  }
0x9a: {  	s8 =	simm.s32 $0xA00;
	s10 =	simm.s32 $0x1400;
	s11 =	simm.s32 $0x1900;
	[tilespmem:s14+$0xA00] =	vst v8;
	vm4 =	vcmask $0xF20;
	vm5 =	vcmask $0x1320;
	v6 =	vsel vm11, $0x41400000, v1  }
0x9b: {  	s13 =	simm.s32 $0x4600;
	s15 =	simm.s32 $0x4680;
	s16 =	simm.s32 $0x0;
	[tilespmem:s14+$0x1900] =	vst v63;
	v1 =	vor.u32 $0x6, v2;
	v2 =	vor.u32 $0x7, v2;
	v6 =	vsel vm8, $0x41500000, v6  }
0x9c: {  	s12 =	sshrl.u32 s12, $0x2;
	s6 =	simm.s32 $0x0;
	[tilespmem:s14+$0x3C00] =	vst v3;
	s14 =	simm.s32 $0x1;
	vm8 =	vmxor vm8, vm8;
	v3 =	vsel vm9, $0x41600000, v6;
	vm9 =	vmmov $0x7f  }
.LBB2_3:
0x9d: {  	(xrf0) =	vmax.scan.msk.f32 $0xffff, v4;
	_ =	sdelay $0x5  }
0x9e: {  	v6, _, _ =	vpop (xrf0)  }
0x9f: {  	v7 =	vbroadcast v6, $0xF;
	_ =	sdelay $0x1  }
0xa0: {  	vm10 =	veq.f32 v4, v7  }
0xa1: {  	v4 =	vnsel vm10, $0x4E6E6B28, v5  }
0xa2: {  	(xrf0) =	vmin.scan.msk.f32 $0xffff, v4;
	_ =	sdelay $0x5  }
0xa3: {  	(v2sf) =	vpush v6, $0xF;
	v4, _, _ =	vpop (xrf0)  }
0xa4: {  	(v2sf) =	vpush v4, $0xF;
	_ =	sdelay $0xd  }
0xa5: {  	s17 =	spop (v2sf)  }
0xa6: {  	s18 =	spop (v2sf)  }
0xa7: {  	p0 =	sgt.f32 s17, $-1.000000020e+30;
	s17 =	ssub.f32 s18, s4  }
0xa8: {  	_ = 	snop  }
0xa9: {  	s17 =	simm.s32 @!p0 $0x0  }
0xaa: {  	s17 =	scvt.f32.s32 s17;
	_ =	sdelay $0x1  }
0xab: {  	v5 =	vmov s17;
	_ =	sdelay $0x4  }
0xac: {  	v6 =	vld.idx.msk [tilespmem:v5+s6+$0x0], $0xffff  }
0xad: {  	v8 =	vld.idx.msk [tilespmem:v5+s7+$0x0], $0xffff  }
0xae: {  	v9 =	vld.idx.msk [tilespmem:v5+s8+$0x0], $0xffff  }
0xaf: {  	v10 =	vld.idx.msk [tilespmem:v5+s9+$0x0], $0xffff  }
0xb0: {  	v11 =	vld.idx.msk [tilespmem:v5+s10+$0x0], $0xffff  }
0xb1: {  	v5 =	vld.idx.msk [tilespmem:v5+s11+$0x0], $0xffff;
	v6 =	vnsel vm0, $0x0, v6  }
0xb2: {  	v6 =	vsel vm1, v6, v8  }
0xb3: {  	v6 =	vsel vm2, v6, v9  }
0xb4: {  	v6 =	vsel vm3, v6, v10  }
0xb5: {  	v6 =	vsel vm4, v6, v11  }
0xb6: {  	s25 =	sshll.u32 s16, $0x7;
	v4 =	vbroadcast v4, $0xF;
	v5 =	vsel vm5, v6, v5  }
0xb7: {  	s17 =	sand.u32 $0x80, s25;
	v5 =	vsel vm6, v5, v7  }
0xb8: {  	s17 =	sadd.s32 s17, s1;
	v4 =	vsel vm7, v5, v4  }
0xb9: {  	s26 =	sadd.s32 s12, s17;
	[tilespmem:$0x4600] =	vst v4  }
0xba: {  	[spmem:s26] =	stream.linear.scatter [tilespmem:s13], [sflag:$0x1], $0x8, $0x38;
	[tilespmem:$0x4F10] =	vst v63  }
0xbb: {  	_ =	swait.ge [sflag:s14], $0x8  }
0xbc: {  	[sflag:s14] =	ssyncset.done $0x0  }
0xbd: {  	[sflag:s14] =	ssyncadd.s32 $0xFFFFFFF8  }
0xbe: {  	[bflag:$0x0] =	sbarrier.arrive $0xFFFF  }
0xbf: {  	[tilespmem:s15], [sflag:$0x1] =	stream.linear.gather [spmem:s17], $0x80, $0x38;
	[tilespmem:$0x4F10] =	vst v63  }
0xc0: {  	_ =	swait.ge [sflag:s14], $0x80  }
0xc1: {  	[sflag:s14] =	ssyncset.done $0x0  }
0xc2: {  	[sflag:s14] =	ssyncadd.s32 $0xFFFFFF80  }
0xc3: {  	v4 =	vld.idx.msk [tilespmem:v1+s15+$0x0], $0xffff;
	_ =	sdelay $0x4  }
0xc4: {  	(xrf0) =	vmax.scan.msk.f32 $0xffff, v4;
	_ =	sdelay $0x4  }
0xc5: {  	v5 =	vld.idx.msk [tilespmem:v2+s15+$0x0], $0xffff  }
0xc6: {  	v6, _, _ =	vpop (xrf0)  }
0xc7: {  	v7 =	vbroadcast v6, $0xF;
	_ =	sdelay $0x1  }
0xc8: {  	vm10 =	veq.f32 v4, v7  }
0xc9: {  	v4 =	vnsel vm10, $0x4E6E6B28, v5  }
0xca: {  	(xrf0) =	vmin.scan.msk.f32 $0xffff, v4;
	_ =	sdelay $0x3  }
0xcb: {  	(v2sf) =	vpush v6, $0xF;
	_ =	sdelay $0x1  }
0xcc: {  	v4, _, _ =	vpop (xrf0)  }
0xcd: {  	v4 =	vbroadcast v4, $0xF;
	_ =	sdelay $0x1  }
0xce: {  	vm11 =	veq.f32 v5, v4  }
0xcf: {  	vm10 =	vmand vm10, vm11  }
0xd0: {  	v4 =	vmctz.xlane vm10;
	_ =	sdelay $0x1  }
0xd1: {  	v4 =	vshll.u32 v4, $0x3  }
0xd2: {  	v5 =	vor.u32 v0, v4;
	_ =	sdelay $0x4  }
0xd3: {  	s28 =	spop (v2sf);
	v5 =	vld.idx.msk [tilespmem:v5+s15+$0x0], $0xffff  }
0xd4: {  	p0 =	sgt.f32 s28, $-1.000000020e+30  }
0xd5: {  	vm10 =	vmmov vm8  }
0xd6: {  	vm10 =	vmneg @p0 vm10;
	v6 =	vor.u32 $0x1, v4  }
0xd7: {  	s29 =	sshll.u32 s16, $0x4;
	v7 =	vor.u32 $0x2, v4;
	vm10 =	vmand vm10, vm9  }
0xd8: {  	s17 =	sand.u32 $0x3FFFFFF0, s29;
	v8 =	vor.u32 $0x3, v4;
	v5 =	vnsel vm10, $0x0, v5  }
0xd9: {  	[tilespmem:s17+$0x4700] =	vst v5  }
0xda: {  	v11 =	vld.idx.msk [tilespmem:v4+s15+$0x0], $0xffff  }
0xdb: {  	v6 =	vld.idx.msk [tilespmem:v6+s15+$0x0], $0xffff  }
0xdc: {  	v7 =	vld.idx.msk [tilespmem:v7+s15+$0x0], $0xffff  }
0xdd: {  	s17 =	simm.s32 $0x0;
	v8 =	vld.idx.msk [tilespmem:v8+s15+$0x0], $0xffff  }
0xde: {  	v16 =	vld [tilespmem:s17+$0x3C00]  }
0xdf: {  	v13 =	vld [tilespmem:s17+$0x1930]  }
0xe0: {  	v14 =	vld [tilespmem:s17+$0xF30]  }
0xe1: {  	v17 =	vld [tilespmem:s17+$0x1430]  }
0xe2: {  	v18 =	vld [tilespmem:s17+$0x530]  }
0xe3: {  	v19 =	vld [tilespmem:s17+$0x30]  }
0xe4: {  	v20 =	vld [tilespmem:s17+$0x3C10]  }
0xe5: {  	v21 =	vld [tilespmem:s17+$0xA20]  }
0xe6: {  	v22 =	vld [tilespmem:s17+$0x1920]  }
0xe7: {  	v24 =	vld [tilespmem:s17+$0x20]  }
0xe8: {  	v5 =	vor.u32 $0x4, v4;
	v25 =	vld [tilespmem:s17+$0xF20]  }
0xe9: {  	v28 =	vld [tilespmem:s17+$0x520]  }
0xea: {  	v4 =	vor.u32 $0x5, v4;
	v31 =	vld [tilespmem:s17+$0xF10]  }
0xeb: {  	v32 =	vld [tilespmem:s17+$0x1410]  }
0xec: {  	v33 =	vld [tilespmem:s17+$0x510]  }
0xed: {  	v9 =	vld.idx.msk [tilespmem:v5+s15+$0x0], $0xffff  }
0xee: {  	v35 =	vld [tilespmem:s17+$0xA00]  }
0xef: {  	v10 =	vld.idx.msk [tilespmem:v4+s15+$0x0], $0xffff;
	v12 =	vpsel !p0, $0x7F800000, v11;
	v21 =	vmax.f32 v7, v21  }
0xf0: {  	v4 =	vld [tilespmem:s17+$0xA30];
	v18 =	vmax.f32 v6, v18;
	v14 =	vmin.f32 v8, v14;
	v25 =	vmin.f32 v8, v25  }
0xf1: {  	v23 =	vld [tilespmem:s17+$0x1420];
	v28 =	vmax.f32 v6, v28;
	v33 =	vmax.f32 v6, v33;
	v11 =	vsub.f32 v8, v12  }
0xf2: {  	v27 =	vld [tilespmem:s17+$0x1910];
	v31 =	vmin.f32 v8, v31;
	v19 =	vmax.f32 v12, v19;
	v15 =	vsub.f32 v9, v6  }
0xf3: {  	v29 =	vld [tilespmem:s17+$0x10];
	v35 =	vmax.f32 v7, v35;
	v19 =	vsub.f32 v14, v19;
	v11 =	vadd.f32 $1.000000000e+00, v11  }
0xf4: {  	v34 =	vld [tilespmem:s17+$0xA10];
	v24 =	vmax.f32 v12, v24;
	v26 =	vsub.f32 v10, v7;
	v15 =	vadd.f32 $1.000000000e+00, v15  }
0xf5: {  	s30 =	sadd.s32 $0x30, s3;
	v37 =	vld [tilespmem:s17+$0x3C20];
	v17 =	vmin.f32 v9, v17;
	v32 =	vmin.f32 v9, v32;
	v4 =	vmax.f32 v7, v4  }
0xf6: {  	s18 =	scvt.s32.f32 s30;
	v5 =	vld [tilespmem:s17+$0x3C30];
	v22 =	vmin.f32 v10, v22;
	v26 =	vadd.f32 $1.000000000e+00, v26;
	v15 =	vmul.f32 v15, v11  }
0xf7: {  	v17 =	vsub.f32 v17, v18;
	v21 =	vsub.f32 v22, v21;
	v22 =	vld [tilespmem:s17+$0xF00];
	v11 =	vmin.f32 v10, v13  }
0xf8: {  	v30 =	vsub.f32 v11, v4;
	v4 =	vadd.f32 s18, v3;
	s18 =	simm.s32 $0x40;
	v13 =	vmul.f32 v26, v15;
	v26 =	vld [tilespmem:s17+$0x1900]  }
0xf9: {  	v29 =	vmax.f32 v12, v29;
	v19 =	vadd.f32 $1.000000000e+00, v19;
	v32 =	vsub.f32 v32, v33;
	v49 =	vld [tilespmem:s18+$0x3C30]  }
0xfa: {  	v27 =	vmin.f32 v10, v27;
	v41 =	vadd.f32 $1.000000000e+00, v17;
	v21 =	vadd.f32 $1.000000000e+00, v21;
	v50 =	vld [tilespmem:s18+$0xA30]  }
0xfb: {  	v51 =	vmax.f32 v19, $0.0e+00;
	v14 =	vadd.f32 v5, v13;
	v5 =	vsub.f32 v25, v24;
	v24 =	vld [tilespmem:s17+$0x0]  }
0xfc: {  	v11 =	vimm.f32 $1.000000000e+09;
	v15 =	vimm.f32 $-Inf;
	v18 =	vld [tilespmem:s18+$0xA20];
	v30 =	vadd.f32 $1.000000000e+00, v30  }
0xfd: {  	v42 =	vld [tilespmem:s18+$0x520];
	v20 =	vadd.f32 v20, v13;
	v25 =	vadd.f32 v16, v13;
	v16 =	vmin.f32 v9, v23  }
0xfe: {  	v43 =	vld [tilespmem:s18+$0x10];
	v22 =	vmin.f32 v8, v22;
	v16 =	vsub.f32 v16, v28;
	v28 =	vsub.f32 v31, v29  }
0xff: {  	v38 =	vld [tilespmem:s18+$0xF30];
	v36 =	vmax.f32 v30, $0.0e+00;
	v31 =	vadd.f32 $1.000000000e+00, v32;
	v5 =	vadd.f32 $1.000000000e+00, v5  }
0x100: {  	v23 =	vld [tilespmem:s17+$0x500];
	v26 =	vmin.f32 v10, v26;
	v28 =	vadd.f32 $1.000000000e+00, v28;
	v24 =	vmax.f32 v12, v24  }
0x101: {  	v30 =	vld [tilespmem:s17+$0x1400];
	v31 =	vmax.f32 v31, $0.0e+00;
	v22 =	vsub.f32 v22, v24;
	v24 =	vmax.f32 v7, v34  }
0x102: {  	v39 =	vld [tilespmem:s18+$0x530];
	v16 =	vadd.f32 $1.000000000e+00, v16;
	v32 =	vmax.f32 v7, v50;
	v24 =	vsub.f32 v27, v24  }
0x103: {  	v52 =	vld [tilespmem:s18+$0x3C10];
	v18 =	vmax.f32 v7, v18;
	v57 =	vmax.f32 v6, v42;
	v60 =	vmax.f32 v12, v43  }
0x104: {  	s19 =	sadd.s32 $0x40, s3;
	v26 =	vsub.f32 v26, v35;
	v19 =	vmax.f32 v28, $0.0e+00;
	v27 =	vld [tilespmem:s18+$0x1930];
	v24 =	vadd.f32 $1.000000000e+00, v24  }
0x105: {  	s20 =	sadd.s32 $0x30, s19;
	v53 =	vld [tilespmem:s18+$0x1420];
	v40 =	vmax.f32 v16, $0.0e+00;
	v23 =	vmax.f32 v6, v23;
	v19 =	vmul.f32 v31, v19  }
0x106: {  	s20 =	scvt.s32.f32 s20;
	v54 =	vld [tilespmem:s18+$0xF10];
	v30 =	vmin.f32 v9, v30;
	v31 =	vmax.f32 v5, $0.0e+00;
	v16 =	vmax.f32 v24, $0.0e+00  }
0x107: {  	v55 =	vld [tilespmem:s18+$0x1410];
	v16 =	vmul.f32 v16, v19;
	v19 =	vmax.f32 v21, $0.0e+00;
	v21 =	vsub.f32 v30, v23  }
0x108: {  	v5 =	vadd.f32 s20, v3;
	v22 =	vadd.f32 $1.000000000e+00, v22;
	v24 =	vld [tilespmem:s18+$0x30];
	v23 =	vmul.f32 v40, v31  }
0x109: {  	v30 =	vadd.f32 v37, v13;
	v31 =	vld [tilespmem:s18+$0x1920];
	v27 =	vmin.f32 v10, v27;
	v21 =	vadd.f32 $1.000000000e+00, v21  }
0x10a: {  	v28 =	vld [tilespmem:s18+$0x1430];
	v17 =	vsub.f32 v27, v32;
	v27 =	vmin.f32 v8, v38;
	v40 =	vmul.f32 v19, v23  }
0x10b: {  	v19 =	vmax.f32 v22, $0.0e+00;
	v22 =	vadd.f32 $1.000000000e+00, v26;
	v26 =	vld [tilespmem:s18+$0xF20];
	v21 =	vmax.f32 v21, $0.0e+00  }
0x10c: {  	v20 =	vsub.f32 v20, v16;
	v23 =	vld [tilespmem:s18+$0x20];
	v32 =	vadd.f32 $1.000000000e+00, v17;
	v21 =	vmul.f32 v21, v19  }
0x10d: {  	v29 =	vld [tilespmem:s18+$0x3C00];
	v17 =	vsub.f32 v30, v40;
	v24 =	vmax.f32 v12, v24;
	v22 =	vmax.f32 v22, $0.0e+00  }
0x10e: {  	v56 =	vld [tilespmem:s18+$0xF00];
	v19 =	vmax.f32 v6, v39;
	v31 =	vmin.f32 v10, v31;
	v44 =	vmul.f32 v22, v21  }
0x10f: {  	v30 =	vld [tilespmem:s18+$0x1910];
	v24 =	vsub.f32 v27, v24;
	(erf) = vrcp.f32 v17;
	v18 =	vsub.f32 v31, v18  }
0x110: {  	v31 =	vmax.f32 v41, $0.0e+00;
	v17 =	vmin.f32 v8, v26;
	v26 =	vld [tilespmem:s18+$0x510];
	v25 =	vsub.f32 v25, v44  }
0x111: {  	v21 =	vmin.f32 v9, v28;
	v23 =	vmax.f32 v12, v23;
	(erf) = vrcp.f32 v20;
	v20 =	vld [tilespmem:s18+$0x1900]  }
0x112: {  	v27 =	vsub.f32 v17, v23;
	v17 =	vadd.f32 v29, v13;
	v29 =	vld [tilespmem:s18+$0x0];
	(erf) = vrcp.f32 v25  }
0x113: {  	v58 =	vld [tilespmem:s18+$0x1400];
	v22 =	vadd.f32 v49, v13;
	v24 =	vadd.f32 $1.000000000e+00, v24;
	v34 =	vmul.f32 v31, v51  }
0x114: {  	v31 =	vmin.f32 v9, v55;
	v23 =	vadd.f32 v52, v13;
	v45 =	vmin.f32 v10, v30  }
0x115: {  	v28 =	vadd.f32 $1.000000000e+00, v27;
	v25 =	vmin.f32 v9, v53;
	v26 =	vmax.f32 v6, v26  }
0x116: {  	v59 =	vld [tilespmem:s18+$0xA10];
	v30 =	vmin.f32 v10, v20;
	v39 =	vsub.f32 v25, v57;
	v25 =	vmin.f32 v8, v56  }
0x117: {  	v33 =	vld [tilespmem:s17+$0x4100];
	v20 =	vsub.f32 v31, v26;
	v26 =	vmax.f32 v12, v29;
	v29 =	vmin.f32 v8, v54  }
0x118: {  	v35 =	vld [tilespmem:s18+$0x3C20];
	v37 =	vmin.f32 v9, v58;
	v27 =	vadd.f32 $1.000000000e+00, v18;
	v25 =	vsub.f32 v25, v26  }
0x119: {  	v38 =	vld [tilespmem:s18+$0xA00];
	v18 =	vmax.f32 v32, $0.0e+00;
	v26 =	vsub.f32 v29, v60;
	v61 =	vadd.f32 $1.000000000e+00, v20;
	v62 =	vpop (erf)  }
0x11a: {  	s31 =	sadd.s32 $0x20, s3;
	v31 =	vld [tilespmem:s18+$0x500];
	v20 =	vmul.f32 v36, v34;
	v29 =	vpop (erf);
	v32 =	vmul.f32 v62, v40;
	v36 =	vadd.f32 $1.000000000e+00, v25  }
0x11b: {  	s24 =	scvt.s32.f32 s31;
	v34 =	vld [tilespmem:s17+$0x4120];
	v25 =	vmax.f32 v7, v59;
	v26 =	vadd.f32 $1.000000000e+00, v26;
	v41 =	vmax.f32 v61, $0.0e+00;
	v63 =	vpop (erf)  }
0x11c: {  	s21 =	sadd.s32 $0x40, s19;
	s25 =	simm.s32 $0x200;
	s20 =	smov.u32 s3;
	v42 =	vsub.f32 v45, v25;
	v25 =	vmax.f32 v24, $0.0e+00;
	v24 =	vld [tilespmem:s17+$0x4130];
	v40 =	vmul.f32 v63, v44  }
.LBB2_4:
0x11d: {  	s22 =	smov.u32 s25  }
0x11e: {  	s23 =	sshra.s32 s25, $0x2;
	s26 =	sadd.s32 $0x30, s21;
	v38 =	vmax.f32 v7, v38;
	v43 =	vld [tilespmem:s17+$0x4110];
	v44 =	vmul.f32 v29, v16;
	v29 =	vadd.f32 s24, v3;
	s22 =	sadd.s32 $0x100, s25  }
0x11f: {  	p0 =	sne.s32 s25, $0x1300;
	v39 =	vadd.f32 $1.000000000e+00, v39;
	vm10 =	vge.f32 v40, $6.999999880e-01;
	s24 =	scvt.s32.f32 s26;
	v16 =	vmax.f32 v26, $0.0e+00;
	v45 =	vld [tilespmem:s23+$0x3C30]  }
0x120: {  	v28 =	vmax.f32 v28, $0.0e+00;
	v16 =	vmul.f32 v41, v16;
	v41 =	vsel vm10, $0xFF800000, v33;
	v40 =	vld [tilespmem:s23+$0x3C00]  }
0x121: {  	v33 =	vadd.f32 $1.000000000e+00, v42;
	v39 =	vmax.f32 v39, $0.0e+00;
	v26 =	vadd.f32 s24, v3;
	s24 =	sadd.s32 $0x10, s20;
	v46 =	vld [tilespmem:s23+$0xA30];
	[tilespmem:s17+$0x4100] =	vst v41  }
0x122: {  	v27 =	vmax.f32 v27, $0.0e+00;
	v28 =	vmul.f32 v39, v28;
	v39 =	vsub.f32 v14, v20;
	v14 =	vmovc v22;
	s24 =	scvt.s32.f32 s24;
	v42 =	vld [tilespmem:s23+$0x1930]  }
0x123: {  	v30 =	vsub.f32 v30, v38;
	vm10 =	vgt.f32 v41, v15;
	v33 =	vmax.f32 v33, $0.0e+00;
	v22 =	vld [tilespmem:s23+$0xF30]  }
0x124: {  	v31 =	vmax.f32 v6, v31;
	v16 =	vmul.f32 v33, v16;
	v47 =	vadd.f32 s24, v3;
	v38 =	vld [tilespmem:s23+$0x1430]  }
0x125: {  	v19 =	vsub.f32 v21, v19;
	v31 =	vsub.f32 v37, v31;
	v33 =	vmul.f32 v27, v28;
	s24 =	scvt.s32.f32 s20;
	s20 =	smov.u32 s19;
	s19 =	smov.u32 s21;
	v48 =	vld [tilespmem:s23+$0x530]  }
0x126: {  	vm11 =	vge.f32 v32, $6.999999880e-01;
	v37 =	vsub.f32 v23, v16;
	v23 =	vadd.f32 v35, v13;
	v21 =	vld [tilespmem:s23+$0x30]  }
0x127: {  	v28 =	vadd.f32 $1.000000000e+00, v31;
	v31 =	vsel vm11, $0xFF800000, v34;
	v32 =	vadd.f32 s24, v3;
	v27 =	vld [tilespmem:s23+$0x3C10]  }
0x128: {  	v35 =	vmax.f32 v7, v46;
	v46 =	vadd.f32 $1.000000000e+00, v19;
	v42 =	vmin.f32 v10, v42;
	v34 =	vld [tilespmem:s23+$0xA20];
	[tilespmem:s17+$0x4120] =	vst v31  }
0x129: {  	v28 =	vmax.f32 v28, $0.0e+00;
	v19 =	vsub.f32 v42, v35;
	v35 =	vmax.f32 v36, $0.0e+00;
	v49 =	vld [tilespmem:s23+$0x1920]  }
0x12a: {  	v30 =	vadd.f32 $1.000000000e+00, v30;
	v28 =	vmul.f32 v28, v35;
	v36 =	vld [tilespmem:s23+$0x1420];
	(erf) = vrcp.f32 v39  }
0x12b: {  	vm11 =	vge.f32 v44, $6.999999880e-01;
	v42 =	vsub.f32 v23, v33;
	v39 =	vadd.f32 $1.000000000e+00, v19;
	v35 =	vld [tilespmem:s23+$0x20]  }
0x12c: {  	v15 =	vsel vm10, v41, v15;
	v30 =	vmax.f32 v30, $0.0e+00;
	v23 =	vmax.f32 v12, v21;
	v44 =	vld [tilespmem:s23+$0xF20]  }
0x12d: {  	v43 =	vsel vm11, $0xFF800000, v43;
	v19 =	vmax.f32 v6, v48;
	v41 =	vld [tilespmem:s23+$0x1910];
	v34 =	vmax.f32 v7, v34  }
0x12e: {  	vm11 =	vgt.f32 v43, v15;
	v22 =	vmin.f32 v8, v22;
	v48 =	vld [tilespmem:s23+$0x520];
	v49 =	vmin.f32 v10, v49;
	[tilespmem:s17+$0x4110] =	vst v43  }
0x12f: {  	v15 =	vsel vm11, v43, v15;
	v21 =	vmin.f32 v9, v38;
	v38 =	vsub.f32 v22, v23;
	v50 =	vld [tilespmem:s23+$0x10]  }
0x130: {  	vm12 =	vgt.f32 v31, v15;
	v22 =	vadd.f32 v45, v13;
	v43 =	vld [tilespmem:s23+$0xF10];
	v35 =	vmax.f32 v12, v35  }
0x131: {  	v15 =	vsel vm12, v31, v15;
	v23 =	vadd.f32 v27, v13;
	v45 =	vld [tilespmem:s23+$0x1900];
	v27 =	vmin.f32 v8, v44  }
0x132: {  	v31 =	vsub.f32 v49, v34;
	v34 =	vmul.f32 v30, v28;
	v44 =	vld [tilespmem:s23+$0x1410];
	v27 =	vsub.f32 v27, v35  }
0x133: {  	v30 =	vadd.f32 v40, v13;
	v36 =	vmin.f32 v9, v36;
	v40 =	vmax.f32 v46, $0.0e+00;
	v35 =	vld [tilespmem:s23+$0x510];
	v46 =	vpop (erf)  }
0x134: {  	v51 =	vsub.f32 v17, v34;
	v49 =	vld [tilespmem:s23+$0xA10];
	v28 =	vadd.f32 $1.000000000e+00, v27;
	(erf) = vrcp.f32 v42  }
0x135: {  	v17 =	vmovc v30;
	v27 =	vadd.f32 $1.000000000e+00, v31;
	v42 =	vld [tilespmem:s23+$0x0];
	(erf) = vrcp.f32 v37;
	v37 =	vmul.f32 v46, v20  }
0x136: {  	v53 =	vadd.f32 $1.000000000e+00, v38;
	v52 =	vmin.f32 v10, v41;
	v46 =	vld [tilespmem:s23+$0xF00];
	(erf) = vrcp.f32 v51  }
0x137: {  	v11 =	vsel vm10, v32, v11;
	v41 =	vmax.f32 v6, v48;
	v20 =	vmul.f32 v40, v25;
	v31 =	vld [tilespmem:s23+$0x500]  }
0x138: {  	v11 =	vsel vm11, v47, v11;
	v25 =	vmax.f32 v39, $0.0e+00;
	v30 =	vmin.f32 v10, v45;
	v38 =	vld [tilespmem:s23+$0xA00]  }
0x139: {  	v11 =	vsel vm12, v29, v11;
	v20 =	vmul.f32 v18, v20;
	vm10 =	vge.f32 v37, $6.999999880e-01;
	v18 =	vmovc v25  }
0x13a: {  	v32 =	vmin.f32 v9, v44;
	v29 =	vmax.f32 v6, v35;
	v24 =	vsel vm10, $0xFF800000, v24;
	v25 =	vld [tilespmem:s23+$0x1400]  }
0x13b: {  	v37 =	vsub.f32 v32, v29;
	vm10 =	vgt.f32 v24, v15;
	v35 =	vmax.f32 v12, v42;
	[tilespmem:s17+$0x4130] =	vst v24;
	s17 =	smov.u32 s18;
	s18 =	smov.u32 s23  }
0x13c: {  	v39 =	vsub.f32 v36, v41;
	v32 =	vmin.f32 v8, v43;
	v15 =	vsel vm10, v24, v15  }
.Ltmp1:
0x13d: {  	v36 =	vmax.f32 v12, v50;
	v24 =	vmin.f32 v8, v46;
	v40 =	vadd.f32 $1.000000000e+00, v37;
	v29 =	vpop (erf);
	(pc) =	sbr.rel @p0 .LBB2_4-.Ltmp1, $4  }
0x13e: {  	v42 =	vsub.f32 v32, v36;
	v24 =	vsub.f32 v24, v35;
	v35 =	vld [tilespmem:s18+$0x3C20];
	v32 =	vmul.f32 v29, v33;
	v29 =	vpop (erf)  }
0x13f: {  	v11 =	vsel vm10, v4, v11;
	s23 =	sadd.s32 $0x20, s20;
	v41 =	vmax.f32 v40, $0.0e+00;
	v37 =	vmin.f32 v9, v25;
	v33 =	vld [tilespmem:s17+$0x4100];
	v25 =	vpop (erf)  }
0x140: {  	v4 =	vmovc v5;
	v5 =	vmovc v26;
	s24 =	scvt.s32.f32 s23;
	v36 =	vadd.f32 $1.000000000e+00, v24;
	v24 =	vmax.f32 v7, v49;
	v40 =	vmul.f32 v25, v34;
	v34 =	vld [tilespmem:s17+$0x4120]  }
0x141: {  	s25 =	smov.u32 s22;
	s21 =	sadd.s32 $0x40, s21;
	v26 =	vadd.f32 $1.000000000e+00, v42;
	v42 =	vsub.f32 v52, v24;
	v25 =	vmax.f32 v53, $0.0e+00;
	v24 =	vld [tilespmem:s17+$0x4130]  }
0x142: {  	v7 =	vmax.f32 v7, v38  }
0x143: {  	v9 =	vadd.f32 $1.000000000e+00, v39;
	v6 =	vmax.f32 v6, v31;
	v10 =	vmax.f32 v28, $0.0e+00  }
0x144: {  	v14 =	vsub.f32 v14, v20;
	v28 =	vmax.f32 v27, $0.0e+00;
	v6 =	vsub.f32 v37, v6  }
0x145: {  	v8 =	vmax.f32 v26, $0.0e+00;
	v12 =	vadd.f32 $1.000000000e+00, v42;
	v7 =	vsub.f32 v30, v7  }
0x146: {  	v37 =	vmax.f32 v36, $0.0e+00;
	v9 =	vmax.f32 v9, $0.0e+00;
	v6 =	vadd.f32 $1.000000000e+00, v6  }
0x147: {  	v13 =	vadd.f32 v35, v13;
	v8 =	vmul.f32 v41, v8;
	v9 =	vmul.f32 v9, v10  }
0x148: {  	(erf) = vrcp.f32 v14;
	v7 =	vadd.f32 $1.000000000e+00, v7;
	v6 =	vmax.f32 v6, $0.0e+00  }
0x149: {  	v31 =	vmax.f32 v12, $0.0e+00;
	v9 =	vmul.f32 v28, v9;
	v6 =	vmul.f32 v6, v37  }
0x14a: {  	v38 =	vsub.f32 v21, v19;
	v8 =	vmul.f32 v31, v8;
	v7 =	vmax.f32 v7, $0.0e+00  }
0x14b: {  	v39 =	vsub.f32 v13, v9;
	v6 =	vmul.f32 v7, v6  }
0x14c: {  	v10 =	vadd.f32 $1.000000000e+00, v38;
	v7 =	vsub.f32 v23, v8  }
0x14d: {  	(erf) = vrcp.f32 v39;
	v41 =	vsub.f32 v17, v6  }
0x14e: {  	v10 =	vmax.f32 v10, $0.0e+00;
	(erf) = vrcp.f32 v7  }
0x14f: {  	v10 =	vmul.f32 v10, v25;
	v7 =	vld [tilespmem:s17+$0x4110];
	(erf) = vrcp.f32 v41;
	_ =	sdelay $0x1  }
0x150: {  	vm10 =	vge.f32 v40, $6.999999880e-01;
	v42 =	vmul.f32 v29, v16;
	v10 =	vmul.f32 v18, v10;
	v43 =	vpop (erf)  }
0x151: {  	v44 =	vsel vm10, $0xFF800000, v33;
	vm10 =	vge.f32 v32, $6.999999880e-01;
	v13 =	vmul.f32 v43, v20  }
0x152: {  	[tilespmem:s17+$0x4100] =	vst v44;
	v45 =	vsel vm10, $0xFF800000, v34;
	vm10 =	vge.f32 v42, $6.999999880e-01;
	v46 =	vsub.f32 v22, v10  }
0x153: {  	s21 =	sadd.s32 $0x10, s20;
	s28 =	scvt.s32.f32 s20;
	[tilespmem:s17+$0x4120] =	vst v45;
	v7 =	vsel vm10, $0xFF800000, v7;
	vm10 =	vge.f32 v13, $6.999999880e-01  }
0x154: {  	s21 =	scvt.s32.f32 s21;
	vm11 =	vgt.f32 v44, v15;
	(erf) = vrcp.f32 v46;
	[tilespmem:s17+$0x4110] =	vst v7;
	v48 =	vsel vm10, $0xFF800000, v24  }
0x155: {  	v49 =	vadd.f32 s28, v3;
	v47 =	vsel vm11, v44, v15;
	[tilespmem:s17+$0x4130] =	vst v48;
	v50 =	vpop (erf)  }
0x156: {  	s29 =	sadd.s32 $0x20, s19;
	v51 =	vadd.f32 s21, v3;
	vm10 =	vgt.f32 v7, v47;
	v53 =	vld [tilespmem:s18+$0x4100];
	v52 =	vpop (erf)  }
0x157: {  	v54 =	vadd.f32 s24, v3;
	v11 =	vsel vm11, v49, v11;
	v7 =	vsel vm10, v7, v47;
	s17 =	scvt.s32.f32 s29;
	v55 =	vpop (erf)  }
0x158: {  	v11 =	vsel vm10, v51, v11;
	vm12 =	vgt.f32 v45, v7;
	v56 =	vld [tilespmem:s18+$0x4110];
	v6 =	vmul.f32 v55, v6  }
0x159: {  	v7 =	vsel vm12, v45, v7;
	v11 =	vsel vm12, v54, v11;
	v60 =	vadd.f32 s17, v3  }
0x15a: {  	v57 =	vld [tilespmem:s18+$0x4120];
	vm10 =	vgt.f32 v48, v7;
	v8 =	vmul.f32 v52, v8;
	vm11 =	vge.f32 v6, $6.999999880e-01  }
0x15b: {  	v7 =	vsel vm10, v48, v7;
	v6 =	vmul.f32 v50, v9;
	v58 =	vsel vm11, $0xFF800000, v53  }
0x15c: {  	s30 =	sadd.s32 $0x10, s19;
	s31 =	scvt.s32.f32 s19;
	v59 =	vld [tilespmem:s18+$0x4130];
	v4 =	vsel vm10, v4, v11;
	vm11 =	vge.f32 v8, $6.999999880e-01;
	vm10 =	vgt.f32 v58, v7  }
0x15d: {  	s16 =	sadd.s32 $0x1, s16;
	s17 =	scvt.s32.f32 s30;
	v61 =	vpop (erf);
	vm12 =	vge.f32 v6, $6.999999880e-01;
	v6 =	vsel vm10, v58, v7;
	v7 =	vsel vm11, $0xFF800000, v56  }
0x15e: {  	p0 =	sne.s32 s16, $0x80;
	v62 =	vadd.f32 s31, v3;
	v8 =	vmul.f32 v61, v10;
	vm11 =	vgt.f32 v7, v6  }
.Ltmp2:
0x15f: {  	v63 =	vadd.f32 s17, v3;
	v14 =	vsel vm12, $0xFF800000, v57;
	v6 =	vsel vm11, v7, v6;
	(pc) =	sbr.rel @p0 .LBB2_3-.Ltmp2, $4  }
0x160: {  	[tilespmem:s18+$0x4100] =	vst v58;
	v4 =	vsel vm10, v62, v4;
	vm10 =	vge.f32 v8, $6.999999880e-01;
	vm12 =	vgt.f32 v14, v6  }
0x161: {  	[tilespmem:s18+$0x4120] =	vst v14;
	v8 =	vsel vm10, $0xFF800000, v59;
	v4 =	vsel vm11, v63, v4;
	v6 =	vsel vm12, v14, v6  }
0x162: {  	[tilespmem:s18+$0x4110] =	vst v7;
	v7 =	vsel vm12, v60, v4;
	vm10 =	vgt.f32 v8, v6  }
0x163: {  	[tilespmem:s18+$0x4130] =	vst v8;
	v4 =	vsel vm10, v8, v6;
	v5 =	vsel vm10, v5, v7  }
0x164: {  	p0 =	sne.s32 s2, $0x0  }
0x165: {  	_ =	sfence.sel @p0 $0x180000  }
0x166: {  	[bflag:$0x0] =	sbarrier.arrive @p0 $0xFFFF  }
0x167: {  	_ =	strace @p0 $0x90000047  }
0x168: {  	s1 =	simm.s32 @!p0 $0x0;
	s2 =	simm.s32 @!p0 $0x4700;
	[bflag:$0x2] =	sbarrier.arrive @p0 $0xFFFF  }
0x169: {  	[hbm4b:s5+s1] =	stream.linear.scatter @!p0 [tilespmem:s2], [sflag:$0x1], $0x800, $0x38;
	[tilespmem:$0x4F10] =	vst v63  }
0x16a: {  	s1 =	simm.s32 @!p0 $0x1  }
0x16b: {  	_ =	swait.ge @!p0 [sflag:s1], $0x800  }
0x16c: {  	[sflag:s1] =	ssyncset.done @!p0 $0x0  }
0x16d: {  	[sflag:s1] =	ssyncadd.s32 @!p0 $0xFFFFF800  }
0x16e: {  	_ =	sfence.sel @!p0 $0x180000  }
0x16f: {  	[bflag:$0x0] =	sbarrier.arrive @!p0 $0xFFFF  }
0x170: {  	_ =	strace @!p0 $0x90000047  }
0x171: {  	s0 =	sadd.s32 @!p0 $0x100000, s0;
	[bflag:$0x2] =	sbarrier.arrive @!p0 $0xFFFF  }
0x172: {  	[sflag:s0] =	ssyncadd.tile.s32 @!p0 $0x1;
	_ =	shalt  }
.Lfunc_end2:
_tile_overlayer_lowered:
.L_overlay_start_2:
0x173: {  	(tag) =	ssettag $0x2  }
0x174: {  	s0 =	rddreg [dreg:$0x0];
	s2 =	stileid.u32  }
0x175: {  	s1 =	rddreg [dreg:$0x1];
	p0 =	sne.s32 s2, $0x0  }
0x176: {  	s3 =	rddreg [dreg:$0x2];
	[bflag:$0x3] =	sbarrier.arrive $0xFFFF;
	s2 =	simm.s32 @!p0 $0x1C01  }
0x177: {  	[timem:s3], [sflag:s2] =	dma.local @!p0 [hbm:s0], s1  }
0x178: {  	s0 =	simm.s32 @!p0 $0x1  }
0x179: {  	_ =	swait.ge @!p0 [sflag:s0], s1  }
0x17a: {  	s1 =	ssub.s32 @!p0 $0x0, s1;
	[sflag:s0] =	ssyncset.done @!p0 $0x0  }
0x17b: {  	[sflag:s0] =	ssyncadd.s32 @!p0 s1  }
0x17c: {  	[bflag:$0x3] =	sbarrier.arrive $0xFFFF  }
0x17d: {  	_ =	shalt  }

</sc_bundles>
